<compile_context>
chip_gen: v7x
topology: tpu7x:2x2x1
jax: 0.10.2.dev20260603
libtpu: 0.0.44.dev20260713+nightly
codegen_flags: <defaults>
</compile_context>

<pallas_src>
import functools

import jax
import jax.numpy as jnp
from jax import lax
from jax.experimental import pallas as pl
from jax.experimental.pallas import tpu as pltpu
from jax.experimental.pallas import tpu_sc as plsc

B, S, D, U, TOPK = 1, 512, 768, 8, 2
DU = D // U
BR = 64
BC = 128
DUP = 128


def _proj_kernel(x_ref, f_ref, wr_ref, wq_ref, wk_ref, wv_ref,
                 qa3_ref, kgt_ref, va3_ref, idx_ref, vf_ref, kr_ref, w8t_ref,
                 cnt_ref, cumt_ref, indt_ref):
    x = x_ref[...]
    freqs = f_ref[...]

    swr = jax.nn.sigmoid(wr_ref[...])
    logits = jnp.dot(x, swr.T, preferred_element_type=jnp.float32)
    probs = jax.nn.softmax(logits, axis=-1)

    tri_r = jax.lax.broadcasted_iota(jnp.int32, (U, U), 0)
    tri_c = jax.lax.broadcasted_iota(jnp.int32, (U, U), 1)
    tri = (tri_r <= tri_c).astype(jnp.float32)

    p1 = jnp.max(probs, axis=1, keepdims=True)
    m1 = (probs == p1)
    occ1 = jnp.dot(m1.astype(jnp.float32), tri, preferred_element_type=jnp.float32)
    mask1 = m1 & (occ1 < 1.5)
    probs2 = jnp.where(mask1, -1.0, probs)
    p2 = jnp.max(probs2, axis=1, keepdims=True)
    m2 = (probs2 == p2)
    occ2 = jnp.dot(m2.astype(jnp.float32), tri, preferred_element_type=jnp.float32)
    mask2 = m2 & (occ2 < 1.5)
    ind = (mask1 | mask2).astype(jnp.float32)
    psum = p1 + p2 + 1e-9
    w8 = (p1 / psum) * mask1.astype(jnp.float32) + (p2 / psum) * mask2.astype(jnp.float32)
    w8t_ref[...] = w8.T.reshape(U, 1, S)

    colu = jax.lax.broadcasted_iota(jnp.int32, (U, D), 1) // DU
    rowu = jax.lax.broadcasted_iota(jnp.int32, (U, D), 0)
    e_mat = (colu == rowu).astype(jnp.float32)
    indw = jnp.dot(ind, e_mat, preferred_element_type=jnp.float32)

    colg = jax.lax.broadcasted_iota(jnp.int32, (DU // 2, D), 1)
    rowg = jax.lax.broadcasted_iota(jnp.int32, (DU // 2, D), 0)
    g_mat = ((colg % DU) // 2 == rowg).astype(jnp.float32)
    ft = jnp.dot(freqs, g_mat, preferred_element_type=jnp.float32)

    swq = jax.nn.sigmoid(wq_ref[...])
    swk = jax.nn.sigmoid(wk_ref[...])
    swv = jax.nn.sigmoid(wv_ref[...])

    q = jnp.dot(x, swq.T, preferred_element_type=jnp.float32)
    qa = jax.nn.sigmoid(q * indw * ft)
    k = jnp.dot(x, swk.T, preferred_element_type=jnp.float32)
    kr = k * indw * ft
    kr_ref[...] = kr
    ka = jax.nn.sigmoid(kr)
    vf = jnp.dot(x, swv.T, preferred_element_type=jnp.float32) * indw
    vf_ref[...] = vf

    indt = ind.T
    indt_ref[...] = indt.reshape(U, 1, S)
    iota_s1 = jax.lax.broadcasted_iota(jnp.int32, (S, S), 0)
    iota_s2 = jax.lax.broadcasted_iota(jnp.int32, (S, S), 1)
    triu_s = (iota_s1 <= iota_s2).astype(jnp.float32)
    cumt = jnp.dot(indt, triu_s, preferred_element_type=jnp.float32)
    cumti = (cumt + 0.5).astype(jnp.int32)
    cumt_ref[...] = cumti.reshape(U, 1, S)
    cnt_ref[...] = cumti[:, S - 1:S]

    iota_p = jax.lax.broadcasted_iota(jnp.int32, (S, S), 0)
    iota_row = jax.lax.broadcasted_iota(jnp.int32, (1, S), 1).astype(jnp.float32)
    for u in range(U):
        pmat = ((cumti[u:u + 1, :] == iota_p + 1)
                & (indt[u:u + 1, :] > 0.5)).astype(jnp.float32)
        kgt_ref[u] = jax.lax.dot_general(
            ka[:, u * DU:(u + 1) * DU], pmat,
            (((0,), (1,)), ((), ())),
            preferred_element_type=jnp.float32).astype(jnp.bfloat16)
        qa3_ref[u, :, 0:DU] = qa[:, u * DU:(u + 1) * DU]
        va3_ref[u, :, 0:DU] = vf[:, u * DU:(u + 1) * DU]
        idxf = jax.lax.dot_general(iota_row, pmat, (((1,), (1,)), ((), ())),
                                   precision=jax.lax.Precision.HIGHEST,
                                   preferred_element_type=jnp.float32)
        idx_ref[u] = (idxf + 0.5).astype(jnp.int32) + u * S


@functools.cache
def _make_sc_gather():
    info = plsc.get_sparse_core_info()
    nw = info.num_cores * info.num_subcores
    bt = U * S
    bw = bt // nw
    mesh = plsc.VectorSubcoreMesh(core_axis_name="c", subcore_axis_name="s")

    @functools.partial(
        pl.kernel, mesh=mesh,
        out_type=[jax.ShapeDtypeStruct((bt, DUP), jnp.float32),
                  jax.ShapeDtypeStruct((bt, DUP), jnp.float32)],
        scratch_types=[pltpu.VMEM((bw,), jnp.int32),
                       pltpu.VMEM((bw, DUP), jnp.float32),
                       pltpu.VMEM((bw, DUP), jnp.float32),
                       pltpu.SemaphoreType.DMA,
                       pltpu.SemaphoreType.DMA],
    )
    def sc_gather(qaf_hbm, vaf_hbm, idx_hbm, qg_hbm, vg_hbm,
                  idx_v, qrows_v, vrows_v, sem_q, sem_v):
        wid = lax.axis_index("s") * info.num_cores + lax.axis_index("c")
        base = wid * bw
        pltpu.sync_copy(idx_hbm.at[pl.ds(base, bw)], idx_v)
        cq = pltpu.async_copy(qaf_hbm.at[idx_v], qrows_v, sem_q)
        cv = pltpu.async_copy(vaf_hbm.at[idx_v], vrows_v, sem_v)
        cq.wait()
        cv.wait()
        pltpu.sync_copy(qrows_v, qg_hbm.at[pl.ds(base, bw)])
        pltpu.sync_copy(vrows_v, vg_hbm.at[pl.ds(base, bw)])

    return sc_gather


def _attn_kernel(cnt_ref, qg_ref, kgt_ref, vg_ref, og_ref):
    u = pl.program_id(0)
    n = cnt_ref[u]
    og_ref[0] = jnp.zeros((S, DU), jnp.float32)

    def row_body(rb, carry):
        base = rb * BR
        q = qg_ref[0, pl.ds(base, BR), :][:, 0:DU]
        qb = q.astype(jnp.bfloat16)
        acc_o = jnp.zeros((BR, DU), jnp.float32)
        acc_r = jnp.zeros((BR, 1), jnp.float32)
        for c in range(S // BC):
            def do(ao, ar, c=c):
                kblk = kgt_ref[0, :, c * BC:(c + 1) * BC]
                vblk = vg_ref[0, c * BC:(c + 1) * BC, :][:, 0:DU]
                t3 = jax.nn.relu(qb[:, :, None] - kblk[None, :, :])
                ssum = jnp.sum(t3, axis=1, dtype=jnp.float32)
                tb = 1.0 - ssum * (1.0 / DU)
                cidx = c * BC + jax.lax.broadcasted_iota(jnp.int32, (BR, BC), 1)
                tb = jnp.where(cidx < n, tb, 0.0)
                return (ao + jnp.dot(tb, vblk, preferred_element_type=jnp.float32),
                        ar + jnp.sum(tb, axis=1, keepdims=True))
            acc_o, acc_r = jax.lax.cond(c * BC < n, do,
                                        lambda ao, ar: (ao, ar), acc_o, acc_r)
        a = jnp.sum(jax.nn.relu(q - 0.5), axis=1, keepdims=True)
        inact = 1.0 - a * (1.0 / DU)
        rs = acc_r + (jnp.float32(S) - n.astype(jnp.float32)) * inact
        og_ref[0, pl.ds(base, BR), :] = acc_o / (rs + 1e-9)
        return carry

    nrb = (n + BR - 1) // BR
    jax.lax.fori_loop(0, nrb, row_body, 0)


def _outproj_kernel(og_ref, cumt_ref, indt_ref, w8t_ref, wout_ref, fin_ref):
    swo = jax.nn.sigmoid(wout_ref[...])
    iota_p = jax.lax.broadcasted_iota(jnp.int32, (S, S), 0)
    acc = jnp.zeros((S, D), dtype=jnp.float32)
    for u in range(U):
        pmat_w = jnp.where((cumt_ref[u] == iota_p + 1) & (indt_ref[u] > 0.5),
                           w8t_ref[u], 0.0)
        od_scaled = jax.lax.dot_general(pmat_w, og_ref[u],
                                        (((0,), (0,)), ((), ())),
                                        preferred_element_type=jnp.float32)
        acc = acc + jax.lax.dot_general(
            od_scaled, swo[:, u * DU:(u + 1) * DU],
            (((1,), (1,)), ((), ())),
            preferred_element_type=jnp.float32)
    fin_ref[...] = acc


@functools.partial(jax.jit, static_argnames=("interpret",))
def _run(x, freqs_cis, Wr, Wq, Wk, Wv, Wout, interpret=False):
    x2 = x.reshape(S, D)

    qa3, kgt, va3, idx, vf, kr, w8t, cnt, cumt, indt = pl.pallas_call(
        _proj_kernel,
        out_shape=[
            jax.ShapeDtypeStruct((U, S, DUP), jnp.float32),
            jax.ShapeDtypeStruct((U, DU, S), jnp.bfloat16),
            jax.ShapeDtypeStruct((U, S, DUP), jnp.float32),
            jax.ShapeDtypeStruct((U, 1, S), jnp.int32),
            jax.ShapeDtypeStruct((S, D), jnp.float32),
            jax.ShapeDtypeStruct((S, D), jnp.float32),
            jax.ShapeDtypeStruct((U, 1, S), jnp.float32),
            jax.ShapeDtypeStruct((U, 1), jnp.int32),
            jax.ShapeDtypeStruct((U, 1, S), jnp.int32),
            jax.ShapeDtypeStruct((U, 1, S), jnp.float32),
        ],
        interpret=interpret,
    )(x2, freqs_cis, Wr, Wq, Wk, Wv)

    qgf, vgf = _make_sc_gather()(qa3.reshape(U * S, DUP),
                                 va3.reshape(U * S, DUP),
                                 idx.reshape(U * S))
    qg = qgf.reshape(U, S, DUP)
    vg = vgf.reshape(U, S, DUP)

    og = pl.pallas_call(
        _attn_kernel,
        grid_spec=pltpu.PrefetchScalarGridSpec(
            num_scalar_prefetch=1,
            grid=(U,),
            in_specs=[
                pl.BlockSpec((1, S, DUP), lambda u, cnt: (u, 0, 0)),
                pl.BlockSpec((1, DU, S), lambda u, cnt: (u, 0, 0)),
                pl.BlockSpec((1, S, DUP), lambda u, cnt: (u, 0, 0)),
            ],
            out_specs=pl.BlockSpec((1, S, DU), lambda u, cnt: (u, 0, 0)),
        ),
        out_shape=jax.ShapeDtypeStruct((U, S, DU), jnp.float32),
        interpret=interpret,
    )(cnt.reshape(U), qg, kgt, vg)

    final = pl.pallas_call(
        _outproj_kernel,
        out_shape=jax.ShapeDtypeStruct((S, D), jnp.float32),
        interpret=interpret,
    )(og, cumt, indt, w8t, Wout)

    return (final.reshape(B, S, D),
            kr.reshape(B, S, U, DU),
            vf.reshape(B, S, U, DU))


def kernel(x, freqs_cis, Wr, Wq, Wk, Wv, Wout):
    return _run(x, freqs_cis, Wr, Wq, Wk, Wv, Wout)

# --- scband reference (transcript-rebuilt; emitter-appended) ---
"""Pipeline reference for scband-multi-universe-topos-attention-89498528514855 (READ-ONLY COPY).

The authoritative reference and input builder live on the scoring server;
editing this copy changes nothing except your own understanding.
"""

import jax, jax.numpy as jnp
import numpy as np

B, S, D, U, TOPK = 1, 512, 768, 8, 2
DU = D // U


def setup_inputs(seed: int = 0) -> dict:
    key = jax.random.key(seed)
    ks = jax.random.split(key, 8)
    x = jax.random.normal(ks[0], (B, S, D), dtype=jnp.float32)
    # freqs_cis passed as real-valued tensor (complex dtype unsupported in harness);
    # torch complex-mult by a real broadcasts to scaling both (real, imag) components,
    # which the reference replicates exactly.
    freqs_cis = jax.random.uniform(ks[1], (S, DU // 2), dtype=jnp.float32)
    Wr = jax.random.normal(ks[2], (U, D), dtype=jnp.float32) * 2.0
    Wq = jax.random.normal(ks[3], (D, D), dtype=jnp.float32) * 2.0
    Wk = jax.random.normal(ks[4], (D, D), dtype=jnp.float32) * 2.0
    Wv = jax.random.normal(ks[5], (D, D), dtype=jnp.float32) * 2.0
    Wout = jax.random.normal(ks[6], (D, D), dtype=jnp.float32) * 2.0
    return {"x": x, "freqs_cis": freqs_cis, "Wr": Wr, "Wq": Wq, "Wk": Wk, "Wv": Wv, "Wout": Wout}


def _rotary(t, freqs):
    # t: [B,S,U,DU]; freqs real [S, DU//2]
    tp = t.reshape(B, S, U, DU // 2, 2)
    f = freqs[:S].reshape(1, S, 1, DU // 2, 1)
    return (tp * f).reshape(B, S, U, DU)


def reference(x, freqs_cis, Wr, Wq, Wk, Wv, Wout):
    # Router (TopologicalLinear: sigmoid-constrained weights)
    logits = x @ jax.nn.sigmoid(Wr).T  # [B,S,U]
    probs = jax.nn.softmax(logits, axis=-1)
    topk_probs, topk_idx = jax.lax.top_k(probs, TOPK)
    topk_probs = topk_probs / (jnp.sum(topk_probs, axis=-1, keepdims=True) + 1e-9)
    # indicator[b,s,u] = any_k(topk_idx==u)  (dense compute + sparse mask, as in S12 FIX)
    onehot = (topk_idx[..., None] == jnp.arange(U)[None, None, None, :])  # [B,S,K,U]
    ind = jnp.any(onehot, axis=2).astype(x.dtype)  # [B,S,U]
    Qf = (x @ jax.nn.sigmoid(Wq).T).reshape(B, S, U, DU) * ind[..., None]
    Kf = (x @ jax.nn.sigmoid(Wk).T).reshape(B, S, U, DU) * ind[..., None]
    Vf = (x @ jax.nn.sigmoid(Wv).T).reshape(B, S, U, DU) * ind[..., None]
    Qr = _rotary(Qf, freqs_cis)
    Kr = _rotary(Kf, freqs_cis)
    # kv_cache is None -> K_all = K_new, V_all = V_new
    K_cache, V_cache = Kr, Vf
    Qa = jnp.transpose(jax.nn.sigmoid(Qr), (0, 2, 1, 3))  # [B,U,S,DU]
    Ka = jnp.transpose(jax.nn.sigmoid(Kr), (0, 2, 1, 3))
    Va = jnp.transpose(Vf, (0, 2, 1, 3))
    implication = jnp.clip(1.0 - Qa[:, :, :, None, :] + Ka[:, :, None, :, :], 0.0, 1.0)
    truth = jnp.mean(implication, axis=-1)  # [B,U,S,S]
    attn = truth / (jnp.sum(truth, axis=-1, keepdims=True) + 1e-9)
    out_all = jnp.matmul(attn, Va)  # [B,U,S,DU]
    out_all = jnp.transpose(out_all, (0, 2, 1, 3))  # [B,S,U,DU]
    w = jnp.sum(topk_probs[..., None] * onehot.astype(x.dtype), axis=2)  # [B,S,U]
    scaled = out_all * w[..., None]
    Wout_r = jax.nn.sigmoid(Wout).reshape(D, U, DU)
    final = jnp.einsum('bsud,oud->bso', scaled, Wout_r)
    return (final, K_cache, V_cache)

if __name__ == "__main__":
    import jax
    _d = setup_inputs()
    print(jax.jit(kernel)(*tuple(_d.values())))

</pallas_src>

<mosaic_0001>
#map = affine_map<(d0, d1) -> (0, 0)>
#map1 = affine_map<(d0, d1) -> (0)>
module attributes {stable_mosaic.version = 14 : i64} {
  func.func @sc_gather(%arg0: i32, %arg1: i32, %arg2: memref<4096x128xf32, #tpu.memory_space<hbm>>, %arg3: memref<4096x128xf32, #tpu.memory_space<hbm>>, %arg4: memref<4096xi32, #tpu.memory_space<hbm>>, %arg5: memref<4096x128xf32, #tpu.memory_space<hbm>>, %arg6: memref<4096x128xf32, #tpu.memory_space<hbm>>, %arg7: memref<128xi32, #tpu.memory_space<vmem>>, %arg8: memref<128x128xf32, #tpu.memory_space<vmem>>, %arg9: memref<128x128xf32, #tpu.memory_space<vmem>>, %arg10: memref<!tpu.dma_semaphore, #tpu.memory_space<semaphore_mem>>, %arg11: memref<!tpu.dma_semaphore, #tpu.memory_space<semaphore_mem>>) attributes {dimension_semantics = [#tpu.dimension_semantics<core_parallel>, #tpu.dimension_semantics<subcore_parallel>], iteration_bounds = array<i64: 2, 16>, scalar_prefetch = 0 : i64, scratch_operands = 5 : i64, tpu.core_type = #tpu.core_type<sc_vector_subcore>, window_params = [{transform_indices = #map}, {transform_indices = #map}, {transform_indices = #map1}, {transform_indices = #map}, {transform_indices = #map}]} {
    %mul3A = arith.constant 2 : i32
    %mul3A_0 = arith.muli %arg1, %mul3A : i32
    %add3A = arith.addi %mul3A_0, %arg0 : i32
    %mul3A_1 = arith.constant 128 : i32
    %mul3A_2 = arith.muli %add3A, %mul3A_1 : i32
    "tpu.region"() ({
      %run_scoped3A = tpu.sem_alloc : memref<!tpu.dma_semaphore, #tpu.memory_space<semaphore_mem>>
      %dma_start3A_13 = tpu.memref_slice %arg4[%mul3A_2] : memref<4096xi32, #tpu.memory_space<hbm>> -> memref<128xi32, #tpu.memory_space<hbm>>
      %dma_start3A_14 = tpu.memref_slice %arg4[%mul3A_2] : memref<4096xi32, #tpu.memory_space<hbm>> -> memref<128xi32, #tpu.memory_space<hbm>>
      tpu.enqueue_dma source(%dma_start3A_14 : memref<128xi32, #tpu.memory_space<hbm>>) target(%arg7 : memref<128xi32, #tpu.memory_space<vmem>>) target_semaphore(%run_scoped3A : memref<!tpu.dma_semaphore, #tpu.memory_space<semaphore_mem>>)
      %dma_wait3A_15 = tpu.memref_slice %arg4[%mul3A_2] : memref<4096xi32, #tpu.memory_space<hbm>> -> memref<128xi32, #tpu.memory_space<hbm>>
      %dma_wait3A_16 = tpu.memref_slice %arg4[%mul3A_2] : memref<4096xi32, #tpu.memory_space<hbm>> -> memref<128xi32, #tpu.memory_space<hbm>>
      tpu.wait_dma2 semaphore(%run_scoped3A : memref<!tpu.dma_semaphore, #tpu.memory_space<semaphore_mem>>) src(%dma_wait3A_16 : memref<128xi32, #tpu.memory_space<hbm>>) dst(%arg7 : memref<128xi32, #tpu.memory_space<vmem>>)
      tpu.yield
    }) : () -> ()
    %dma_start3A = arith.constant 0 : i32
    %dma_start3A_3 = arith.constant 0 : i32
    %dma_start3A_4 = tpu.memref_slice %arg2[%dma_start3A, %dma_start3A_3] : memref<4096x128xf32, #tpu.memory_space<hbm>> -> memref<4096x128xf32, #tpu.memory_space<hbm>>
    tpu.enqueue_indirect_dma source(%dma_start3A_4 : memref<4096x128xf32, #tpu.memory_space<hbm>>) target(%arg8 : memref<128x128xf32, #tpu.memory_space<vmem>>) offsets(%arg7 : memref<128xi32, #tpu.memory_space<vmem>>) semaphore(%arg10 : memref<!tpu.dma_semaphore, #tpu.memory_space<semaphore_mem>>)
    %dma_start3A_5 = arith.constant 0 : i32
    %dma_start3A_6 = arith.constant 0 : i32
    %dma_start3A_7 = tpu.memref_slice %arg3[%dma_start3A_5, %dma_start3A_6] : memref<4096x128xf32, #tpu.memory_space<hbm>> -> memref<4096x128xf32, #tpu.memory_space<hbm>>
    tpu.enqueue_indirect_dma source(%dma_start3A_7 : memref<4096x128xf32, #tpu.memory_space<hbm>>) target(%arg9 : memref<128x128xf32, #tpu.memory_space<vmem>>) offsets(%arg7 : memref<128xi32, #tpu.memory_space<vmem>>) semaphore(%arg11 : memref<!tpu.dma_semaphore, #tpu.memory_space<semaphore_mem>>)
    %dma_wait3A = arith.constant 0 : i32
    %dma_wait3A_8 = arith.constant 0 : i32
    %dma_wait3A_9 = tpu.memref_slice %arg2[%dma_wait3A, %dma_wait3A_8] : memref<4096x128xf32, #tpu.memory_space<hbm>> -> memref<4096x128xf32, #tpu.memory_space<hbm>>
    tpu.wait_indirect_dma semaphore(%arg10 : memref<!tpu.dma_semaphore, #tpu.memory_space<semaphore_mem>>) src(%dma_wait3A_9 : memref<4096x128xf32, #tpu.memory_space<hbm>>) dst(%arg8 : memref<128x128xf32, #tpu.memory_space<vmem>>)
    %dma_wait3A_10 = arith.constant 0 : i32
    %dma_wait3A_11 = arith.constant 0 : i32
    %dma_wait3A_12 = tpu.memref_slice %arg3[%dma_wait3A_10, %dma_wait3A_11] : memref<4096x128xf32, #tpu.memory_space<hbm>> -> memref<4096x128xf32, #tpu.memory_space<hbm>>
    tpu.wait_indirect_dma semaphore(%arg11 : memref<!tpu.dma_semaphore, #tpu.memory_space<semaphore_mem>>) src(%dma_wait3A_12 : memref<4096x128xf32, #tpu.memory_space<hbm>>) dst(%arg9 : memref<128x128xf32, #tpu.memory_space<vmem>>)
    "tpu.region"() ({
      %run_scoped3A = tpu.sem_alloc : memref<!tpu.dma_semaphore, #tpu.memory_space<semaphore_mem>>
      %dma_start3A_13 = arith.constant 0 : i32
      %dma_start3A_14 = tpu.memref_slice %arg5[%mul3A_2, %dma_start3A_13] : memref<4096x128xf32, #tpu.memory_space<hbm>> -> memref<128x128xf32, #tpu.memory_space<hbm>>
      %dma_start3A_15 = arith.constant 0 : i32
      %dma_start3A_16 = tpu.memref_slice %arg5[%mul3A_2, %dma_start3A_15] : memref<4096x128xf32, #tpu.memory_space<hbm>> -> memref<128x128xf32, #tpu.memory_space<hbm>>
      tpu.enqueue_dma source(%arg8 : memref<128x128xf32, #tpu.memory_space<vmem>>) target(%dma_start3A_16 : memref<128x128xf32, #tpu.memory_space<hbm>>) target_semaphore(%run_scoped3A : memref<!tpu.dma_semaphore, #tpu.memory_space<semaphore_mem>>)
      %dma_wait3A_17 = arith.constant 0 : i32
      %dma_wait3A_18 = tpu.memref_slice %arg5[%mul3A_2, %dma_wait3A_17] : memref<4096x128xf32, #tpu.memory_space<hbm>> -> memref<128x128xf32, #tpu.memory_space<hbm>>
      %dma_wait3A_19 = arith.constant 0 : i32
      %dma_wait3A_20 = tpu.memref_slice %arg5[%mul3A_2, %dma_wait3A_19] : memref<4096x128xf32, #tpu.memory_space<hbm>> -> memref<128x128xf32, #tpu.memory_space<hbm>>
      tpu.wait_dma2 semaphore(%run_scoped3A : memref<!tpu.dma_semaphore, #tpu.memory_space<semaphore_mem>>) src(%arg8 : memref<128x128xf32, #tpu.memory_space<vmem>>) dst(%dma_wait3A_20 : memref<128x128xf32, #tpu.memory_space<hbm>>)
      tpu.yield
    }) : () -> ()
    "tpu.region"() ({
      %run_scoped3A = tpu.sem_alloc : memref<!tpu.dma_semaphore, #tpu.memory_space<semaphore_mem>>
      %dma_start3A_13 = arith.constant 0 : i32
      %dma_start3A_14 = tpu.memref_slice %arg6[%mul3A_2, %dma_start3A_13] : memref<4096x128xf32, #tpu.memory_space<hbm>> -> memref<128x128xf32, #tpu.memory_space<hbm>>
      %dma_start3A_15 = arith.constant 0 : i32
      %dma_start3A_16 = tpu.memref_slice %arg6[%mul3A_2, %dma_start3A_15] : memref<4096x128xf32, #tpu.memory_space<hbm>> -> memref<128x128xf32, #tpu.memory_space<hbm>>
      tpu.enqueue_dma source(%arg9 : memref<128x128xf32, #tpu.memory_space<vmem>>) target(%dma_start3A_16 : memref<128x128xf32, #tpu.memory_space<hbm>>) target_semaphore(%run_scoped3A : memref<!tpu.dma_semaphore, #tpu.memory_space<semaphore_mem>>)
      %dma_wait3A_17 = arith.constant 0 : i32
      %dma_wait3A_18 = tpu.memref_slice %arg6[%mul3A_2, %dma_wait3A_17] : memref<4096x128xf32, #tpu.memory_space<hbm>> -> memref<128x128xf32, #tpu.memory_space<hbm>>
      %dma_wait3A_19 = arith.constant 0 : i32
      %dma_wait3A_20 = tpu.memref_slice %arg6[%mul3A_2, %dma_wait3A_19] : memref<4096x128xf32, #tpu.memory_space<hbm>> -> memref<128x128xf32, #tpu.memory_space<hbm>>
      tpu.wait_dma2 semaphore(%run_scoped3A : memref<!tpu.dma_semaphore, #tpu.memory_space<semaphore_mem>>) src(%arg9 : memref<128x128xf32, #tpu.memory_space<vmem>>) dst(%dma_wait3A_20 : memref<128x128xf32, #tpu.memory_space<hbm>>)
      tpu.yield
    }) : () -> ()
    return
  }
}

module attributes {stable_mosaic.version = 14 : i64} {
  func.func @_proj_kernel(%arg0: memref<512x768xf32, #tpu.memory_space<vmem>>, %arg1: memref<512x48xf32, #tpu.memory_space<vmem>>, %arg2: memref<8x768xf32, #tpu.memory_space<vmem>>, %arg3: memref<768x768xf32, #tpu.memory_space<vmem>>, %arg4: memref<768x768xf32, #tpu.memory_space<vmem>>, %arg5: memref<768x768xf32, #tpu.memory_space<vmem>>, %arg6: memref<8x512x128xf32, #tpu.memory_space<vmem>>, %arg7: memref<8x96x512xbf16, #tpu.memory_space<vmem>>, %arg8: memref<8x512x128xf32, #tpu.memory_space<vmem>>, %arg9: memref<8x1x512xi32, #tpu.memory_space<vmem>>, %arg10: memref<512x768xf32, #tpu.memory_space<vmem>>, %arg11: memref<512x768xf32, #tpu.memory_space<vmem>>, %arg12: memref<8x1x512xf32, #tpu.memory_space<vmem>>, %arg13: memref<8x1xi32, #tpu.memory_space<vmem>>, %arg14: memref<8x1x512xi32, #tpu.memory_space<vmem>>, %arg15: memref<8x1x512xf32, #tpu.memory_space<vmem>>) attributes {dimension_semantics = [], scalar_prefetch = 0 : i64, scratch_operands = 0 : i64, tpu.core_type = #tpu.core_type<tc>} {
    %get3A = arith.constant 0 : index
    %get3A_0 = arith.constant 0 : index
    %get3A_1 = vector.load %arg0[%get3A, %get3A_0] : memref<512x768xf32, #tpu.memory_space<vmem>>, vector<512x768xf32>
    %get3A_2 = arith.constant 0 : index
    %get3A_3 = arith.constant 0 : index
    %get3A_4 = vector.load %arg1[%get3A_2, %get3A_3] : memref<512x48xf32, #tpu.memory_space<vmem>>, vector<512x48xf32>
    %get3A_5 = arith.constant 0 : index
    %get3A_6 = arith.constant 0 : index
    %get3A_7 = vector.load %arg2[%get3A_5, %get3A_6] : memref<8x768xf32, #tpu.memory_space<vmem>>, vector<8x768xf32>
    %logistic3A = arith.negf %get3A_7 : vector<8x768xf32>
    %logistic3A_8 = math.exp %logistic3A : vector<8x768xf32>
    %logistic3A_9 = arith.constant 1.000000e+00 : f32
    %logistic3A_10 = vector.broadcast %logistic3A_9 : f32 to vector<8x768xf32>
    %logistic3A_11 = arith.addf %logistic3A_10, %logistic3A_8 : vector<8x768xf32>
    %logistic3A_12 = arith.divf %logistic3A_10, %logistic3A_11 : vector<8x768xf32>
    %transpose3A = tpu.transpose %logistic3A_12, [1, 0] : vector<8x768xf32> -> vector<768x8xf32>
    %dot_general3A = arith.constant dense<0.000000e+00> : vector<512x8xf32>
    %dot_general3A_13 = tpu.matmul %get3A_1, %transpose3A, %dot_general3A {dimension_numbers = #tpu.dot_dimension_numbers<[1], [0], [0], [1], [0, 0, 1, 1], [], []>, transpose_lhs_hint = false} : vector<512x768xf32>, vector<768x8xf32>, vector<512x8xf32> -> vector<512x8xf32>
    %reduce_max3A = arith.constant dense<0xFF800000> : vector<512xf32>
    %reduce_max3A_14 = vector.multi_reduction <maximumf>, %dot_general3A_13, %reduce_max3A [1] : vector<512x8xf32> to vector<512xf32>
    %max3A = arith.constant 0xFF800000 : f32
    %max3A_15 = vector.broadcast %max3A : f32 to vector<512xf32>
    %max3A_16 = arith.maximumf %max3A_15, %reduce_max3A_14 : vector<512xf32>
    %broadcast_in_dim3A = vector.shape_cast %max3A_16 : vector<512xf32> to vector<512x1xf32>
    %sub3A = vector.broadcast %broadcast_in_dim3A : vector<512x1xf32> to vector<512x8xf32>
    %sub3A_17 = arith.subf %dot_general3A_13, %sub3A : vector<512x8xf32>
    %exp3A = math.exp %sub3A_17 : vector<512x8xf32>
    %reduce_sum3A = arith.constant dense<0.000000e+00> : vector<512xf32>
    %reduce_sum3A_18 = vector.multi_reduction <add>, %exp3A, %reduce_sum3A [1] : vector<512x8xf32> to vector<512xf32>
    %broadcast_in_dim3A_19 = vector.shape_cast %reduce_sum3A_18 : vector<512xf32> to vector<512x1xf32>
    %div3A = vector.broadcast %broadcast_in_dim3A_19 : vector<512x1xf32> to vector<512x8xf32>
    %div3A_20 = arith.divf %exp3A, %div3A : vector<512x8xf32>
    %iota3A = tpu.iota {dimensions = array<i32: 0>} : vector<8x8xi32>
    %iota3A_21 = tpu.iota {dimensions = array<i32: 1>} : vector<8x8xi32>
    %le3A = arith.cmpi sle, %iota3A, %iota3A_21 : vector<8x8xi32>
    %convert_element_type3A = arith.extui %le3A : vector<8x8xi1> to vector<8x8xi32>
    %convert_element_type3A_22 = arith.sitofp %convert_element_type3A : vector<8x8xi32> to vector<8x8xf32>
    %reduce_max3A_23 = arith.constant dense<0xFF800000> : vector<512xf32>
    %reduce_max3A_24 = vector.multi_reduction <maximumf>, %div3A_20, %reduce_max3A_23 [1] : vector<512x8xf32> to vector<512xf32>
    %broadcast_in_dim3A_25 = vector.shape_cast %reduce_max3A_24 : vector<512xf32> to vector<512x1xf32>
    %eq3A = vector.broadcast %broadcast_in_dim3A_25 : vector<512x1xf32> to vector<512x8xf32>
    %eq3A_26 = arith.cmpf oeq, %div3A_20, %eq3A : vector<512x8xf32>
    %convert_element_type3A_27 = arith.extui %eq3A_26 : vector<512x8xi1> to vector<512x8xi32>
    %convert_element_type3A_28 = arith.sitofp %convert_element_type3A_27 : vector<512x8xi32> to vector<512x8xf32>
    %dot_general3A_29 = arith.constant dense<0.000000e+00> : vector<512x8xf32>
    %dot_general3A_30 = tpu.matmul %convert_element_type3A_28, %convert_element_type3A_22, %dot_general3A_29 {dimension_numbers = #tpu.dot_dimension_numbers<[1], [0], [0], [1], [0, 0, 1, 1], [], []>, transpose_lhs_hint = false} : vector<512x8xf32>, vector<8x8xf32>, vector<512x8xf32> -> vector<512x8xf32>
    %lt3A = arith.constant 1.500000e+00 : f32
    %lt3A_31 = vector.broadcast %lt3A : f32 to vector<512x8xf32>
    %lt3A_32 = arith.cmpf olt, %dot_general3A_30, %lt3A_31 : vector<512x8xf32>
    %and3A = arith.andi %eq3A_26, %lt3A_32 : vector<512x8xi1>
    %jit3A = arith.constant -1.000000e+00 : f32
    %broadcast_in_dim3A_33 = vector.broadcast %jit3A : f32 to vector<512x8xf32>
    %select_n3A = arith.select %and3A, %broadcast_in_dim3A_33, %div3A_20 : vector<512x8xi1>, vector<512x8xf32>
    %reduce_max3A_34 = arith.constant dense<0xFF800000> : vector<512xf32>
    %reduce_max3A_35 = vector.multi_reduction <maximumf>, %select_n3A, %reduce_max3A_34 [1] : vector<512x8xf32> to vector<512xf32>
    %broadcast_in_dim3A_36 = vector.shape_cast %reduce_max3A_35 : vector<512xf32> to vector<512x1xf32>
    %eq3A_37 = vector.broadcast %broadcast_in_dim3A_36 : vector<512x1xf32> to vector<512x8xf32>
    %eq3A_38 = arith.cmpf oeq, %select_n3A, %eq3A_37 : vector<512x8xf32>
    %convert_element_type3A_39 = arith.extui %eq3A_38 : vector<512x8xi1> to vector<512x8xi32>
    %convert_element_type3A_40 = arith.sitofp %convert_element_type3A_39 : vector<512x8xi32> to vector<512x8xf32>
    %dot_general3A_41 = arith.constant dense<0.000000e+00> : vector<512x8xf32>
    %dot_general3A_42 = tpu.matmul %convert_element_type3A_40, %convert_element_type3A_22, %dot_general3A_41 {dimension_numbers = #tpu.dot_dimension_numbers<[1], [0], [0], [1], [0, 0, 1, 1], [], []>, transpose_lhs_hint = false} : vector<512x8xf32>, vector<8x8xf32>, vector<512x8xf32> -> vector<512x8xf32>
    %lt3A_43 = arith.constant 1.500000e+00 : f32
    %lt3A_44 = vector.broadcast %lt3A_43 : f32 to vector<512x8xf32>
    %lt3A_45 = arith.cmpf olt, %dot_general3A_42, %lt3A_44 : vector<512x8xf32>
    %and3A_46 = arith.andi %eq3A_38, %lt3A_45 : vector<512x8xi1>
    %or3A = arith.ori %and3A, %and3A_46 : vector<512x8xi1>
    %convert_element_type3A_47 = arith.extui %or3A : vector<512x8xi1> to vector<512x8xi32>
    %convert_element_type3A_48 = arith.sitofp %convert_element_type3A_47 : vector<512x8xi32> to vector<512x8xf32>
    %add3A = arith.addf %broadcast_in_dim3A_25, %broadcast_in_dim3A_36 : vector<512x1xf32>
    %add3A_49 = arith.constant 9.99999971E-10 : f32
    %add3A_50 = vector.broadcast %add3A_49 : f32 to vector<512x1xf32>
    %add3A_51 = arith.addf %add3A, %add3A_50 : vector<512x1xf32>
    %div3A_52 = arith.divf %broadcast_in_dim3A_25, %add3A_51 : vector<512x1xf32>
    %convert_element_type3A_53 = arith.extui %and3A : vector<512x8xi1> to vector<512x8xi32>
    %convert_element_type3A_54 = arith.sitofp %convert_element_type3A_53 : vector<512x8xi32> to vector<512x8xf32>
    %mul3A = vector.broadcast %div3A_52 : vector<512x1xf32> to vector<512x8xf32>
    %mul3A_55 = arith.mulf %mul3A, %convert_element_type3A_54 : vector<512x8xf32>
    %div3A_56 = arith.divf %broadcast_in_dim3A_36, %add3A_51 : vector<512x1xf32>
    %convert_element_type3A_57 = arith.extui %and3A_46 : vector<512x8xi1> to vector<512x8xi32>
    %convert_element_type3A_58 = arith.sitofp %convert_element_type3A_57 : vector<512x8xi32> to vector<512x8xf32>
    %mul3A_59 = vector.broadcast %div3A_56 : vector<512x1xf32> to vector<512x8xf32>
    %mul3A_60 = arith.mulf %mul3A_59, %convert_element_type3A_58 : vector<512x8xf32>
    %add3A_61 = arith.addf %mul3A_55, %mul3A_60 : vector<512x8xf32>
    %transpose3A_62 = tpu.transpose %add3A_61, [1, 0] : vector<512x8xf32> -> vector<8x512xf32>
    %reshape3A = vector.shape_cast %transpose3A_62 : vector<8x512xf32> to vector<8x1x512xf32>
    %swap3A = arith.constant 0 : index
    %swap3A_63 = arith.constant 0 : index
    %swap3A_64 = arith.constant 0 : index
    %swap3A_65 = vector.load %arg12[%swap3A, %swap3A_63, %swap3A_64] : memref<8x1x512xf32, #tpu.memory_space<vmem>>, vector<8x1x512xf32>
    tpu.vector_store %arg12[%swap3A, %swap3A_63, %swap3A_64], %reshape3A {strides = array<i32>} : memref<8x1x512xf32, #tpu.memory_space<vmem>>, vector<8x1x512xf32>,
    %iota3A_66 = tpu.iota {dimensions = array<i32: 1>} : vector<8x768xi32>
    %jit3A_67 = arith.constant 96 : i32
    %div3A_68 = vector.broadcast %jit3A_67 : i32 to vector<8x768xi32>
    %div3A_69 = arith.divsi %iota3A_66, %div3A_68 : vector<8x768xi32>
    %sign3A = arith.constant 0 : i32
    %sign3A_70 = vector.broadcast %sign3A : i32 to vector<8x768xi32>
    %sign3A_71 = arith.cmpi sgt, %iota3A_66, %sign3A_70 : vector<8x768xi32>
    %sign3A_72 = arith.extui %sign3A_71 : vector<8x768xi1> to vector<8x768xi32>
    %sign3A_73 = arith.constant 0 : i32
    %sign3A_74 = vector.broadcast %sign3A_73 : i32 to vector<8x768xi32>
    %sign3A_75 = arith.cmpi slt, %iota3A_66, %sign3A_74 : vector<8x768xi32>
    %sign3A_76 = arith.extui %sign3A_75 : vector<8x768xi1> to vector<8x768xi32>
    %sign3A_77 = arith.subi %sign3A_72, %sign3A_76 : vector<8x768xi32>
    %sign3A_78 = arith.constant 0 : i32
    %sign3A_79 = arith.cmpi sgt, %jit3A_67, %sign3A_78 : i32
    %sign3A_80 = arith.extui %sign3A_79 : i1 to i32
    %sign3A_81 = arith.constant 0 : i32
    %sign3A_82 = arith.cmpi slt, %jit3A_67, %sign3A_81 : i32
    %sign3A_83 = arith.extui %sign3A_82 : i1 to i32
    %sign3A_84 = arith.subi %sign3A_80, %sign3A_83 : i32
    %ne3A = vector.broadcast %sign3A_84 : i32 to vector<8x768xi32>
    %ne3A_85 = arith.cmpi ne, %sign3A_77, %ne3A : vector<8x768xi32>
    %rem3A = vector.broadcast %jit3A_67 : i32 to vector<8x768xi32>
    %rem3A_86 = arith.remsi %iota3A_66, %rem3A : vector<8x768xi32>
    %ne3A_87 = arith.constant 0 : i32
    %ne3A_88 = vector.broadcast %ne3A_87 : i32 to vector<8x768xi32>
    %ne3A_89 = arith.cmpi ne, %rem3A_86, %ne3A_88 : vector<8x768xi32>
    %and3A_90 = arith.andi %ne3A_85, %ne3A_89 : vector<8x768xi1>
    %sub3A_91 = arith.constant 1 : i32
    %sub3A_92 = vector.broadcast %sub3A_91 : i32 to vector<8x768xi32>
    %sub3A_93 = arith.subi %div3A_69, %sub3A_92 : vector<8x768xi32>
    %select_n3A_94 = arith.select %and3A_90, %sub3A_93, %div3A_69 : vector<8x768xi1>, vector<8x768xi32>
    %iota3A_95 = tpu.iota {dimensions = array<i32: 0>} : vector<8x768xi32>
    %eq3A_96 = arith.cmpi eq, %select_n3A_94, %iota3A_95 : vector<8x768xi32>
    %convert_element_type3A_97 = arith.extui %eq3A_96 : vector<8x768xi1> to vector<8x768xi32>
    %convert_element_type3A_98 = arith.sitofp %convert_element_type3A_97 : vector<8x768xi32> to vector<8x768xf32>
    %dot_general3A_99 = arith.constant dense<0.000000e+00> : vector<512x768xf32>
    %dot_general3A_100 = tpu.matmul %convert_element_type3A_48, %convert_element_type3A_98, %dot_general3A_99 {dimension_numbers = #tpu.dot_dimension_numbers<[1], [0], [0], [1], [0, 0, 1, 1], [], []>, transpose_lhs_hint = false} : vector<512x8xf32>, vector<8x768xf32>, vector<512x768xf32> -> vector<512x768xf32>
    %iota3A_101 = tpu.iota {dimensions = array<i32: 1>} : vector<48x768xi32>
    %iota3A_102 = tpu.iota {dimensions = array<i32: 0>} : vector<48x768xi32>
    %jit3A_103 = arith.constant 96 : i32
    %eq3A_104 = arith.constant 0 : i32
    %eq3A_105 = arith.cmpi eq, %jit3A_103, %eq3A_104 : i32
    %jit3A_106 = arith.constant 1 : i32
    %select_n3A_107 = arith.select %eq3A_105, %jit3A_106, %jit3A_103 : i32
    %rem3A_108 = vector.broadcast %select_n3A_107 : i32 to vector<48x768xi32>
    %rem3A_109 = arith.remsi %iota3A_101, %rem3A_108 : vector<48x768xi32>
    %ne3A_110 = arith.constant 0 : i32
    %ne3A_111 = vector.broadcast %ne3A_110 : i32 to vector<48x768xi32>
    %ne3A_112 = arith.cmpi ne, %rem3A_109, %ne3A_111 : vector<48x768xi32>
    %lt3A_113 = arith.constant 0 : i32
    %lt3A_114 = vector.broadcast %lt3A_113 : i32 to vector<48x768xi32>
    %lt3A_115 = arith.cmpi slt, %rem3A_109, %lt3A_114 : vector<48x768xi32>
    %lt3A_116 = arith.constant 0 : i32
    %lt3A_117 = arith.cmpi slt, %select_n3A_107, %lt3A_116 : i32
    %ne3A_118 = vector.broadcast %lt3A_117 : i1 to vector<48x768xi1>
    %ne3A_119 = vector.broadcast %ne3A_118 : vector<48x768xi1> to vector<48x768xi1>
    %ne3A_120 = arith.xori %lt3A_115, %ne3A_119 : vector<48x768xi1>
    %and3A_121 = arith.andi %ne3A_120, %ne3A_112 : vector<48x768xi1>
    %add3A_122 = vector.broadcast %select_n3A_107 : i32 to vector<48x768xi32>
    %add3A_123 = arith.addi %rem3A_109, %add3A_122 : vector<48x768xi32>
    %select_n3A_124 = arith.select %and3A_121, %add3A_123, %rem3A_109 : vector<48x768xi1>, vector<48x768xi32>
    %jit3A_125 = arith.constant 2 : i32
    %div3A_126 = vector.broadcast %jit3A_125 : i32 to vector<48x768xi32>
    %div3A_127 = arith.divsi %select_n3A_124, %div3A_126 : vector<48x768xi32>
    %sign3A_128 = arith.constant 0 : i32
    %sign3A_129 = vector.broadcast %sign3A_128 : i32 to vector<48x768xi32>
    %sign3A_130 = arith.cmpi sgt, %select_n3A_124, %sign3A_129 : vector<48x768xi32>
    %sign3A_131 = arith.extui %sign3A_130 : vector<48x768xi1> to vector<48x768xi32>
    %sign3A_132 = arith.constant 0 : i32
    %sign3A_133 = vector.broadcast %sign3A_132 : i32 to vector<48x768xi32>
    %sign3A_134 = arith.cmpi slt, %select_n3A_124, %sign3A_133 : vector<48x768xi32>
    %sign3A_135 = arith.extui %sign3A_134 : vector<48x768xi1> to vector<48x768xi32>
    %sign3A_136 = arith.subi %sign3A_131, %sign3A_135 : vector<48x768xi32>
    %sign3A_137 = arith.constant 0 : i32
    %sign3A_138 = arith.cmpi sgt, %jit3A_125, %sign3A_137 : i32
    %sign3A_139 = arith.extui %sign3A_138 : i1 to i32
    %sign3A_140 = arith.constant 0 : i32
    %sign3A_141 = arith.cmpi slt, %jit3A_125, %sign3A_140 : i32
    %sign3A_142 = arith.extui %sign3A_141 : i1 to i32
    %sign3A_143 = arith.subi %sign3A_139, %sign3A_142 : i32
    %ne3A_144 = vector.broadcast %sign3A_143 : i32 to vector<48x768xi32>
    %ne3A_145 = arith.cmpi ne, %sign3A_136, %ne3A_144 : vector<48x768xi32>
    %rem3A_146 = vector.broadcast %jit3A_125 : i32 to vector<48x768xi32>
    %rem3A_147 = arith.remsi %select_n3A_124, %rem3A_146 : vector<48x768xi32>
    %ne3A_148 = arith.constant 0 : i32
    %ne3A_149 = vector.broadcast %ne3A_148 : i32 to vector<48x768xi32>
    %ne3A_150 = arith.cmpi ne, %rem3A_147, %ne3A_149 : vector<48x768xi32>
    %and3A_151 = arith.andi %ne3A_145, %ne3A_150 : vector<48x768xi1>
    %sub3A_152 = arith.constant 1 : i32
    %sub3A_153 = vector.broadcast %sub3A_152 : i32 to vector<48x768xi32>
    %sub3A_154 = arith.subi %div3A_127, %sub3A_153 : vector<48x768xi32>
    %select_n3A_155 = arith.select %and3A_151, %sub3A_154, %div3A_127 : vector<48x768xi1>, vector<48x768xi32>
    %eq3A_156 = arith.cmpi eq, %select_n3A_155, %iota3A_102 : vector<48x768xi32>
    %convert_element_type3A_157 = arith.extui %eq3A_156 : vector<48x768xi1> to vector<48x768xi32>
    %convert_element_type3A_158 = arith.sitofp %convert_element_type3A_157 : vector<48x768xi32> to vector<48x768xf32>
    %dot_general3A_159 = arith.constant dense<0.000000e+00> : vector<512x768xf32>
    %dot_general3A_160 = tpu.matmul %get3A_4, %convert_element_type3A_158, %dot_general3A_159 {dimension_numbers = #tpu.dot_dimension_numbers<[1], [0], [0], [1], [0, 0, 1, 1], [], []>, transpose_lhs_hint = false} : vector<512x48xf32>, vector<48x768xf32>, vector<512x768xf32> -> vector<512x768xf32>
    %get3A_161 = arith.constant 0 : index
    %get3A_162 = arith.constant 0 : index
    %get3A_163 = vector.load %arg3[%get3A_161, %get3A_162] : memref<768x768xf32, #tpu.memory_space<vmem>>, vector<768x768xf32>
    %logistic3A_164 = arith.negf %get3A_163 : vector<768x768xf32>
    %logistic3A_165 = math.exp %logistic3A_164 : vector<768x768xf32>
    %logistic3A_166 = arith.constant 1.000000e+00 : f32
    %logistic3A_167 = vector.broadcast %logistic3A_166 : f32 to vector<768x768xf32>
    %logistic3A_168 = arith.addf %logistic3A_167, %logistic3A_165 : vector<768x768xf32>
    %logistic3A_169 = arith.divf %logistic3A_167, %logistic3A_168 : vector<768x768xf32>
    %get3A_170 = arith.constant 0 : index
    %get3A_171 = arith.constant 0 : index
    %get3A_172 = vector.load %arg4[%get3A_170, %get3A_171] : memref<768x768xf32, #tpu.memory_space<vmem>>, vector<768x768xf32>
    %logistic3A_173 = arith.negf %get3A_172 : vector<768x768xf32>
    %logistic3A_174 = math.exp %logistic3A_173 : vector<768x768xf32>
    %logistic3A_175 = arith.constant 1.000000e+00 : f32
    %logistic3A_176 = vector.broadcast %logistic3A_175 : f32 to vector<768x768xf32>
    %logistic3A_177 = arith.addf %logistic3A_176, %logistic3A_174 : vector<768x768xf32>
    %logistic3A_178 = arith.divf %logistic3A_176, %logistic3A_177 : vector<768x768xf32>
    %get3A_179 = arith.constant 0 : index
    %get3A_180 = arith.constant 0 : index
    %get3A_181 = vector.load %arg5[%get3A_179, %get3A_180] : memref<768x768xf32, #tpu.memory_space<vmem>>, vector<768x768xf32>
    %logistic3A_182 = arith.negf %get3A_181 : vector<768x768xf32>
    %logistic3A_183 = math.exp %logistic3A_182 : vector<768x768xf32>
    %logistic3A_184 = arith.constant 1.000000e+00 : f32
    %logistic3A_185 = vector.broadcast %logistic3A_184 : f32 to vector<768x768xf32>
    %logistic3A_186 = arith.addf %logistic3A_185, %logistic3A_183 : vector<768x768xf32>
    %logistic3A_187 = arith.divf %logistic3A_185, %logistic3A_186 : vector<768x768xf32>
    %transpose3A_188 = tpu.transpose %logistic3A_169, [1, 0] : vector<768x768xf32> -> vector<768x768xf32>
    %dot_general3A_189 = arith.constant dense<0.000000e+00> : vector<512x768xf32>
    %dot_general3A_190 = tpu.matmul %get3A_1, %transpose3A_188, %dot_general3A_189 {dimension_numbers = #tpu.dot_dimension_numbers<[1], [0], [0], [1], [0, 0, 1, 1], [], []>, transpose_lhs_hint = false} : vector<512x768xf32>, vector<768x768xf32>, vector<512x768xf32> -> vector<512x768xf32>
    %mul3A_191 = arith.mulf %dot_general3A_190, %dot_general3A_100 : vector<512x768xf32>
    %mul3A_192 = arith.mulf %mul3A_191, %dot_general3A_160 : vector<512x768xf32>
    %logistic3A_193 = arith.negf %mul3A_192 : vector<512x768xf32>
    %logistic3A_194 = math.exp %logistic3A_193 : vector<512x768xf32>
    %logistic3A_195 = arith.constant 1.000000e+00 : f32
    %logistic3A_196 = vector.broadcast %logistic3A_195 : f32 to vector<512x768xf32>
    %logistic3A_197 = arith.addf %logistic3A_196, %logistic3A_194 : vector<512x768xf32>
    %logistic3A_198 = arith.divf %logistic3A_196, %logistic3A_197 : vector<512x768xf32>
    %transpose3A_199 = tpu.transpose %logistic3A_178, [1, 0] : vector<768x768xf32> -> vector<768x768xf32>
    %dot_general3A_200 = arith.constant dense<0.000000e+00> : vector<512x768xf32>
    %dot_general3A_201 = tpu.matmul %get3A_1, %transpose3A_199, %dot_general3A_200 {dimension_numbers = #tpu.dot_dimension_numbers<[1], [0], [0], [1], [0, 0, 1, 1], [], []>, transpose_lhs_hint = false} : vector<512x768xf32>, vector<768x768xf32>, vector<512x768xf32> -> vector<512x768xf32>
    %mul3A_202 = arith.mulf %dot_general3A_201, %dot_general3A_100 : vector<512x768xf32>
    %mul3A_203 = arith.mulf %mul3A_202, %dot_general3A_160 : vector<512x768xf32>
    %swap3A_204 = arith.constant 0 : index
    %swap3A_205 = arith.constant 0 : index
    %swap3A_206 = vector.load %arg11[%swap3A_204, %swap3A_205] : memref<512x768xf32, #tpu.memory_space<vmem>>, vector<512x768xf32>
    tpu.vector_store %arg11[%swap3A_204, %swap3A_205], %mul3A_203 {strides = array<i32>} : memref<512x768xf32, #tpu.memory_space<vmem>>, vector<512x768xf32>,
    %logistic3A_207 = arith.negf %mul3A_203 : vector<512x768xf32>
    %logistic3A_208 = math.exp %logistic3A_207 : vector<512x768xf32>
    %logistic3A_209 = arith.constant 1.000000e+00 : f32
    %logistic3A_210 = vector.broadcast %logistic3A_209 : f32 to vector<512x768xf32>
    %logistic3A_211 = arith.addf %logistic3A_210, %logistic3A_208 : vector<512x768xf32>
    %logistic3A_212 = arith.divf %logistic3A_210, %logistic3A_211 : vector<512x768xf32>
    %transpose3A_213 = tpu.transpose %logistic3A_187, [1, 0] : vector<768x768xf32> -> vector<768x768xf32>
    %dot_general3A_214 = arith.constant dense<0.000000e+00> : vector<512x768xf32>
    %dot_general3A_215 = tpu.matmul %get3A_1, %transpose3A_213, %dot_general3A_214 {dimension_numbers = #tpu.dot_dimension_numbers<[1], [0], [0], [1], [0, 0, 1, 1], [], []>, transpose_lhs_hint = false} : vector<512x768xf32>, vector<768x768xf32>, vector<512x768xf32> -> vector<512x768xf32>
    %mul3A_216 = arith.mulf %dot_general3A_215, %dot_general3A_100 : vector<512x768xf32>
    %swap3A_217 = arith.constant 0 : index
    %swap3A_218 = arith.constant 0 : index
    %swap3A_219 = vector.load %arg10[%swap3A_217, %swap3A_218] : memref<512x768xf32, #tpu.memory_space<vmem>>, vector<512x768xf32>
    tpu.vector_store %arg10[%swap3A_217, %swap3A_218], %mul3A_216 {strides = array<i32>} : memref<512x768xf32, #tpu.memory_space<vmem>>, vector<512x768xf32>,
    %transpose3A_220 = tpu.transpose %convert_element_type3A_48, [1, 0] : vector<512x8xf32> -> vector<8x512xf32>
    %reshape3A_221 = vector.shape_cast %transpose3A_220 : vector<8x512xf32> to vector<8x1x512xf32>
    %swap3A_222 = arith.constant 0 : index
    %swap3A_223 = arith.constant 0 : index
    %swap3A_224 = arith.constant 0 : index
    %swap3A_225 = vector.load %arg15[%swap3A_222, %swap3A_223, %swap3A_224] : memref<8x1x512xf32, #tpu.memory_space<vmem>>, vector<8x1x512xf32>
    tpu.vector_store %arg15[%swap3A_222, %swap3A_223, %swap3A_224], %reshape3A_221 {strides = array<i32>} : memref<8x1x512xf32, #tpu.memory_space<vmem>>, vector<8x1x512xf32>,
    %iota3A_226 = tpu.iota {dimensions = array<i32: 0>} : vector<512x512xi32>
    %iota3A_227 = tpu.iota {dimensions = array<i32: 1>} : vector<512x512xi32>
    %le3A_228 = arith.cmpi sle, %iota3A_226, %iota3A_227 : vector<512x512xi32>
    %convert_element_type3A_229 = arith.extui %le3A_228 : vector<512x512xi1> to vector<512x512xi32>
    %convert_element_type3A_230 = arith.sitofp %convert_element_type3A_229 : vector<512x512xi32> to vector<512x512xf32>
    %dot_general3A_231 = arith.constant dense<0.000000e+00> : vector<8x512xf32>
    %dot_general3A_232 = tpu.matmul %transpose3A_220, %convert_element_type3A_230, %dot_general3A_231 {dimension_numbers = #tpu.dot_dimension_numbers<[1], [0], [0], [1], [0, 0, 1, 1], [], []>, transpose_lhs_hint = false} : vector<8x512xf32>, vector<512x512xf32>, vector<8x512xf32> -> vector<8x512xf32>
    %add3A_233 = arith.constant 5.000000e-01 : f32
    %add3A_234 = vector.broadcast %add3A_233 : f32 to vector<8x512xf32>
    %add3A_235 = arith.addf %dot_general3A_232, %add3A_234 : vector<8x512xf32>
    %convert_element_type3A_236 = arith.fptosi %add3A_235 : vector<8x512xf32> to vector<8x512xi32>
    %reshape3A_237 = vector.shape_cast %convert_element_type3A_236 : vector<8x512xi32> to vector<8x1x512xi32>
    %swap3A_238 = arith.constant 0 : index
    %swap3A_239 = arith.constant 0 : index
    %swap3A_240 = arith.constant 0 : index
    %swap3A_241 = vector.load %arg14[%swap3A_238, %swap3A_239, %swap3A_240] : memref<8x1x512xi32, #tpu.memory_space<vmem>>, vector<8x1x512xi32>
    tpu.vector_store %arg14[%swap3A_238, %swap3A_239, %swap3A_240], %reshape3A_237 {strides = array<i32>} : memref<8x1x512xi32, #tpu.memory_space<vmem>>, vector<8x1x512xi32>,
    %slice3A = vector.extract_strided_slice %convert_element_type3A_236 {offsets = [0, 511], sizes = [8, 1], strides = [1, 1]} : vector<8x512xi32> to vector<8x1xi32>
    %swap3A_242 = arith.constant 0 : index
    %swap3A_243 = arith.constant 0 : index
    %swap3A_244 = vector.load %arg13[%swap3A_242, %swap3A_243] : memref<8x1xi32, #tpu.memory_space<vmem>>, vector<8x1xi32>
    tpu.vector_store %arg13[%swap3A_242, %swap3A_243], %slice3A {strides = array<i32>} : memref<8x1xi32, #tpu.memory_space<vmem>>, vector<8x1xi32>,
    %iota3A_245 = tpu.iota {dimensions = array<i32: 0>} : vector<512x512xi32>
    %iota3A_246 = tpu.iota {dimensions = array<i32: 1>} : vector<1x512xi32>
    %convert_element_type3A_247 = arith.sitofp %iota3A_246 : vector<1x512xi32> to vector<1x512xf32>
    %slice3A_248 = vector.extract_strided_slice %convert_element_type3A_236 {offsets = [0, 0], sizes = [1, 512], strides = [1, 1]} : vector<8x512xi32> to vector<1x512xi32>
    %add3A_249 = arith.constant 1 : i32
    %add3A_250 = vector.broadcast %add3A_249 : i32 to vector<512x512xi32>
    %add3A_251 = arith.addi %iota3A_245, %add3A_250 : vector<512x512xi32>
    %eq3A_252 = vector.broadcast %slice3A_248 : vector<1x512xi32> to vector<512x512xi32>
    %eq3A_253 = arith.cmpi eq, %eq3A_252, %add3A_251 : vector<512x512xi32>
    %slice3A_254 = vector.extract_strided_slice %transpose3A_220 {offsets = [0, 0], sizes = [1, 512], strides = [1, 1]} : vector<8x512xf32> to vector<1x512xf32>
    %gt3A = arith.constant 5.000000e-01 : f32
    %gt3A_255 = vector.broadcast %gt3A : f32 to vector<1x512xf32>
    %gt3A_256 = arith.cmpf ogt, %slice3A_254, %gt3A_255 : vector<1x512xf32>
    %and3A_257 = vector.broadcast %gt3A_256 : vector<1x512xi1> to vector<512x512xi1>
    %and3A_258 = arith.andi %eq3A_253, %and3A_257 : vector<512x512xi1>
    %convert_element_type3A_259 = arith.extui %and3A_258 : vector<512x512xi1> to vector<512x512xi32>
    %convert_element_type3A_260 = arith.sitofp %convert_element_type3A_259 : vector<512x512xi32> to vector<512x512xf32>
    %slice3A_261 = vector.extract_strided_slice %logistic3A_212 {offsets = [0, 0], sizes = [512, 96], strides = [1, 1]} : vector<512x768xf32> to vector<512x96xf32>
    %dot_general3A_262 = arith.constant dense<0.000000e+00> : vector<96x512xf32>
    %dot_general3A_263 = tpu.matmul %slice3A_261, %convert_element_type3A_260, %dot_general3A_262 {dimension_numbers = #tpu.dot_dimension_numbers<[0], [1], [1], [0], [0, 1, 1, 0], [], []>, transpose_lhs_hint = false} : vector<512x96xf32>, vector<512x512xf32>, vector<96x512xf32> -> vector<96x512xf32>
    %convert_element_type3A_264 = arith.truncf %dot_general3A_263 : vector<96x512xf32> to vector<96x512xbf16>
    %swap3A_265 = arith.constant 0 : index
    %swap3A_266 = arith.constant 0 : index
    %swap3A_267 = arith.constant 0 : index
    %swap3A_268 = vector.load %arg7[%swap3A_265, %swap3A_266, %swap3A_267] : memref<8x96x512xbf16, #tpu.memory_space<vmem>>, vector<1x96x512xbf16>
    %swap3A_269 = vector.shape_cast %swap3A_268 : vector<1x96x512xbf16> to vector<96x512xbf16>
    %swap3A_270 = vector.shape_cast %convert_element_type3A_264 : vector<96x512xbf16> to vector<1x96x512xbf16>
    tpu.vector_store %arg7[%swap3A_265, %swap3A_266, %swap3A_267], %swap3A_270 {strides = array<i32>} : memref<8x96x512xbf16, #tpu.memory_space<vmem>>, vector<1x96x512xbf16>,
    %slice3A_271 = vector.extract_strided_slice %logistic3A_198 {offsets = [0, 0], sizes = [512, 96], strides = [1, 1]} : vector<512x768xf32> to vector<512x96xf32>
    %swap3A_272 = arith.constant 0 : index
    %swap3A_273 = arith.constant 0 : index
    %swap3A_274 = arith.constant 0 : index
    %swap3A_275 = vector.load %arg6[%swap3A_272, %swap3A_273, %swap3A_274] : memref<8x512x128xf32, #tpu.memory_space<vmem>>, vector<1x512x96xf32>
    %swap3A_276 = vector.shape_cast %swap3A_275 : vector<1x512x96xf32> to vector<512x96xf32>
    %swap3A_277 = vector.shape_cast %slice3A_271 : vector<512x96xf32> to vector<1x512x96xf32>
    tpu.vector_store %arg6[%swap3A_272, %swap3A_273, %swap3A_274], %swap3A_277 {strides = array<i32>} : memref<8x512x128xf32, #tpu.memory_space<vmem>>, vector<1x512x96xf32>,
    %slice3A_278 = vector.extract_strided_slice %mul3A_216 {offsets = [0, 0], sizes = [512, 96], strides = [1, 1]} : vector<512x768xf32> to vector<512x96xf32>
    %swap3A_279 = arith.constant 0 : index
    %swap3A_280 = arith.constant 0 : index
    %swap3A_281 = arith.constant 0 : index
    %swap3A_282 = vector.load %arg8[%swap3A_279, %swap3A_280, %swap3A_281] : memref<8x512x128xf32, #tpu.memory_space<vmem>>, vector<1x512x96xf32>
    %swap3A_283 = vector.shape_cast %swap3A_282 : vector<1x512x96xf32> to vector<512x96xf32>
    %swap3A_284 = vector.shape_cast %slice3A_278 : vector<512x96xf32> to vector<1x512x96xf32>
    tpu.vector_store %arg8[%swap3A_279, %swap3A_280, %swap3A_281], %swap3A_284 {strides = array<i32>} : memref<8x512x128xf32, #tpu.memory_space<vmem>>, vector<1x512x96xf32>,
    %dot_general3A_285 = arith.constant dense<0.000000e+00> : vector<1x512xf32>
    %dot_general3A_286 = tpu.matmul %convert_element_type3A_247, %convert_element_type3A_260, %dot_general3A_285 {dimension_numbers = #tpu.dot_dimension_numbers<[1], [1], [0], [0], [0, 0, 1, 0], [], []>, precision = #tpu.contract_precision<fp32>, transpose_lhs_hint = false} : vector<1x512xf32>, vector<512x512xf32>, vector<1x512xf32> -> vector<1x512xf32>
    %add3A_287 = arith.constant 5.000000e-01 : f32
    %add3A_288 = vector.broadcast %add3A_287 : f32 to vector<1x512xf32>
    %add3A_289 = arith.addf %dot_general3A_286, %add3A_288 : vector<1x512xf32>
    %convert_element_type3A_290 = arith.fptosi %add3A_289 : vector<1x512xf32> to vector<1x512xi32>
    %add3A_291 = arith.constant 0 : i32
    %add3A_292 = vector.broadcast %add3A_291 : i32 to vector<1x512xi32>
    %add3A_293 = arith.addi %convert_element_type3A_290, %add3A_292 : vector<1x512xi32>
    %swap3A_294 = arith.constant 0 : index
    %swap3A_295 = arith.constant 0 : index
    %swap3A_296 = arith.constant 0 : index
    %swap3A_297 = vector.load %arg9[%swap3A_294, %swap3A_295, %swap3A_296] : memref<8x1x512xi32, #tpu.memory_space<vmem>>, vector<1x1x512xi32>
    %swap3A_298 = vector.shape_cast %swap3A_297 : vector<1x1x512xi32> to vector<1x512xi32>
    %swap3A_299 = vector.shape_cast %add3A_293 : vector<1x512xi32> to vector<1x1x512xi32>
    tpu.vector_store %arg9[%swap3A_294, %swap3A_295, %swap3A_296], %swap3A_299 {strides = array<i32>} : memref<8x1x512xi32, #tpu.memory_space<vmem>>, vector<1x1x512xi32>,
    %slice3A_300 = vector.extract_strided_slice %convert_element_type3A_236 {offsets = [1, 0], sizes = [1, 512], strides = [1, 1]} : vector<8x512xi32> to vector<1x512xi32>
    %add3A_301 = arith.constant 1 : i32
    %add3A_302 = vector.broadcast %add3A_301 : i32 to vector<512x512xi32>
    %add3A_303 = arith.addi %iota3A_245, %add3A_302 : vector<512x512xi32>
    %eq3A_304 = vector.broadcast %slice3A_300 : vector<1x512xi32> to vector<512x512xi32>
    %eq3A_305 = arith.cmpi eq, %eq3A_304, %add3A_303 : vector<512x512xi32>
    %slice3A_306 = vector.extract_strided_slice %transpose3A_220 {offsets = [1, 0], sizes = [1, 512], strides = [1, 1]} : vector<8x512xf32> to vector<1x512xf32>
    %gt3A_307 = arith.constant 5.000000e-01 : f32
    %gt3A_308 = vector.broadcast %gt3A_307 : f32 to vector<1x512xf32>
    %gt3A_309 = arith.cmpf ogt, %slice3A_306, %gt3A_308 : vector<1x512xf32>
    %and3A_310 = vector.broadcast %gt3A_309 : vector<1x512xi1> to vector<512x512xi1>
    %and3A_311 = arith.andi %eq3A_305, %and3A_310 : vector<512x512xi1>
    %convert_element_type3A_312 = arith.extui %and3A_311 : vector<512x512xi1> to vector<512x512xi32>
    %convert_element_type3A_313 = arith.sitofp %convert_element_type3A_312 : vector<512x512xi32> to vector<512x512xf32>
    %slice3A_314 = vector.extract_strided_slice %logistic3A_212 {offsets = [0, 96], sizes = [512, 96], strides = [1, 1]} : vector<512x768xf32> to vector<512x96xf32>
    %dot_general3A_315 = arith.constant dense<0.000000e+00> : vector<96x512xf32>
    %dot_general3A_316 = tpu.matmul %slice3A_314, %convert_element_type3A_313, %dot_general3A_315 {dimension_numbers = #tpu.dot_dimension_numbers<[0], [1], [1], [0], [0, 1, 1, 0], [], []>, transpose_lhs_hint = false} : vector<512x96xf32>, vector<512x512xf32>, vector<96x512xf32> -> vector<96x512xf32>
    %convert_element_type3A_317 = arith.truncf %dot_general3A_316 : vector<96x512xf32> to vector<96x512xbf16>
    %swap3A_318 = arith.constant 1 : index
    %swap3A_319 = arith.constant 0 : index
    %swap3A_320 = arith.constant 0 : index
    %swap3A_321 = vector.load %arg7[%swap3A_318, %swap3A_319, %swap3A_320] : memref<8x96x512xbf16, #tpu.memory_space<vmem>>, vector<1x96x512xbf16>
    %swap3A_322 = vector.shape_cast %swap3A_321 : vector<1x96x512xbf16> to vector<96x512xbf16>
    %swap3A_323 = vector.shape_cast %convert_element_type3A_317 : vector<96x512xbf16> to vector<1x96x512xbf16>
    tpu.vector_store %arg7[%swap3A_318, %swap3A_319, %swap3A_320], %swap3A_323 {strides = array<i32>} : memref<8x96x512xbf16, #tpu.memory_space<vmem>>, vector<1x96x512xbf16>,
    %slice3A_324 = vector.extract_strided_slice %logistic3A_198 {offsets = [0, 96], sizes = [512, 96], strides = [1, 1]} : vector<512x768xf32> to vector<512x96xf32>
    %swap3A_325 = arith.constant 1 : index
    %swap3A_326 = arith.constant 0 : index
    %swap3A_327 = arith.constant 0 : index
    %swap3A_328 = vector.load %arg6[%swap3A_325, %swap3A_326, %swap3A_327] : memref<8x512x128xf32, #tpu.memory_space<vmem>>, vector<1x512x96xf32>
    %swap3A_329 = vector.shape_cast %swap3A_328 : vector<1x512x96xf32> to vector<512x96xf32>
    %swap3A_330 = vector.shape_cast %slice3A_324 : vector<512x96xf32> to vector<1x512x96xf32>
    tpu.vector_store %arg6[%swap3A_325, %swap3A_326, %swap3A_327], %swap3A_330 {strides = array<i32>} : memref<8x512x128xf32, #tpu.memory_space<vmem>>, vector<1x512x96xf32>,
    %slice3A_331 = vector.extract_strided_slice %mul3A_216 {offsets = [0, 96], sizes = [512, 96], strides = [1, 1]} : vector<512x768xf32> to vector<512x96xf32>
    %swap3A_332 = arith.constant 1 : index
    %swap3A_333 = arith.constant 0 : index
    %swap3A_334 = arith.constant 0 : index
    %swap3A_335 = vector.load %arg8[%swap3A_332, %swap3A_333, %swap3A_334] : memref<8x512x128xf32, #tpu.memory_space<vmem>>, vector<1x512x96xf32>
    %swap3A_336 = vector.shape_cast %swap3A_335 : vector<1x512x96xf32> to vector<512x96xf32>
    %swap3A_337 = vector.shape_cast %slice3A_331 : vector<512x96xf32> to vector<1x512x96xf32>
    tpu.vector_store %arg8[%swap3A_332, %swap3A_333, %swap3A_334], %swap3A_337 {strides = array<i32>} : memref<8x512x128xf32, #tpu.memory_space<vmem>>, vector<1x512x96xf32>,
    %dot_general3A_338 = arith.constant dense<0.000000e+00> : vector<1x512xf32>
    %dot_general3A_339 = tpu.matmul %convert_element_type3A_247, %convert_element_type3A_313, %dot_general3A_338 {dimension_numbers = #tpu.dot_dimension_numbers<[1], [1], [0], [0], [0, 0, 1, 0], [], []>, precision = #tpu.contract_precision<fp32>, transpose_lhs_hint = false} : vector<1x512xf32>, vector<512x512xf32>, vector<1x512xf32> -> vector<1x512xf32>
    %add3A_340 = arith.constant 5.000000e-01 : f32
    %add3A_341 = vector.broadcast %add3A_340 : f32 to vector<1x512xf32>
    %add3A_342 = arith.addf %dot_general3A_339, %add3A_341 : vector<1x512xf32>
    %convert_element_type3A_343 = arith.fptosi %add3A_342 : vector<1x512xf32> to vector<1x512xi32>
    %add3A_344 = arith.constant 512 : i32
    %add3A_345 = vector.broadcast %add3A_344 : i32 to vector<1x512xi32>
    %add3A_346 = arith.addi %convert_element_type3A_343, %add3A_345 : vector<1x512xi32>
    %swap3A_347 = arith.constant 1 : index
    %swap3A_348 = arith.constant 0 : index
    %swap3A_349 = arith.constant 0 : index
    %swap3A_350 = vector.load %arg9[%swap3A_347, %swap3A_348, %swap3A_349] : memref<8x1x512xi32, #tpu.memory_space<vmem>>, vector<1x1x512xi32>
    %swap3A_351 = vector.shape_cast %swap3A_350 : vector<1x1x512xi32> to vector<1x512xi32>
    %swap3A_352 = vector.shape_cast %add3A_346 : vector<1x512xi32> to vector<1x1x512xi32>
    tpu.vector_store %arg9[%swap3A_347, %swap3A_348, %swap3A_349], %swap3A_352 {strides = array<i32>} : memref<8x1x512xi32, #tpu.memory_space<vmem>>, vector<1x1x512xi32>,
    %slice3A_353 = vector.extract_strided_slice %convert_element_type3A_236 {offsets = [2, 0], sizes = [1, 512], strides = [1, 1]} : vector<8x512xi32> to vector<1x512xi32>
    %add3A_354 = arith.constant 1 : i32
    %add3A_355 = vector.broadcast %add3A_354 : i32 to vector<512x512xi32>
    %add3A_356 = arith.addi %iota3A_245, %add3A_355 : vector<512x512xi32>
    %eq3A_357 = vector.broadcast %slice3A_353 : vector<1x512xi32> to vector<512x512xi32>
    %eq3A_358 = arith.cmpi eq, %eq3A_357, %add3A_356 : vector<512x512xi32>
    %slice3A_359 = vector.extract_strided_slice %transpose3A_220 {offsets = [2, 0], sizes = [1, 512], strides = [1, 1]} : vector<8x512xf32> to vector<1x512xf32>
    %gt3A_360 = arith.constant 5.000000e-01 : f32
    %gt3A_361 = vector.broadcast %gt3A_360 : f32 to vector<1x512xf32>
    %gt3A_362 = arith.cmpf ogt, %slice3A_359, %gt3A_361 : vector<1x512xf32>
    %and3A_363 = vector.broadcast %gt3A_362 : vector<1x512xi1> to vector<512x512xi1>
    %and3A_364 = arith.andi %eq3A_358, %and3A_363 : vector<512x512xi1>
    %convert_element_type3A_365 = arith.extui %and3A_364 : vector<512x512xi1> to vector<512x512xi32>
    %convert_element_type3A_366 = arith.sitofp %convert_element_type3A_365 : vector<512x512xi32> to vector<512x512xf32>
    %slice3A_367 = vector.extract_strided_slice %logistic3A_212 {offsets = [0, 192], sizes = [512, 96], strides = [1, 1]} : vector<512x768xf32> to vector<512x96xf32>
    %dot_general3A_368 = arith.constant dense<0.000000e+00> : vector<96x512xf32>
    %dot_general3A_369 = tpu.matmul %slice3A_367, %convert_element_type3A_366, %dot_general3A_368 {dimension_numbers = #tpu.dot_dimension_numbers<[0], [1], [1], [0], [0, 1, 1, 0], [], []>, transpose_lhs_hint = false} : vector<512x96xf32>, vector<512x512xf32>, vector<96x512xf32> -> vector<96x512xf32>
    %convert_element_type3A_370 = arith.truncf %dot_general3A_369 : vector<96x512xf32> to vector<96x512xbf16>
    %swap3A_371 = arith.constant 2 : index
    %swap3A_372 = arith.constant 0 : index
    %swap3A_373 = arith.constant 0 : index
    %swap3A_374 = vector.load %arg7[%swap3A_371, %swap3A_372, %swap3A_373] : memref<8x96x512xbf16, #tpu.memory_space<vmem>>, vector<1x96x512xbf16>
    %swap3A_375 = vector.shape_cast %swap3A_374 : vector<1x96x512xbf16> to vector<96x512xbf16>
    %swap3A_376 = vector.shape_cast %convert_element_type3A_370 : vector<96x512xbf16> to vector<1x96x512xbf16>
    tpu.vector_store %arg7[%swap3A_371, %swap3A_372, %swap3A_373], %swap3A_376 {strides = array<i32>} : memref<8x96x512xbf16, #tpu.memory_space<vmem>>, vector<1x96x512xbf16>,
    %slice3A_377 = vector.extract_strided_slice %logistic3A_198 {offsets = [0, 192], sizes = [512, 96], strides = [1, 1]} : vector<512x768xf32> to vector<512x96xf32>
    %swap3A_378 = arith.constant 2 : index
    %swap3A_379 = arith.constant 0 : index
    %swap3A_380 = arith.constant 0 : index
    %swap3A_381 = vector.load %arg6[%swap3A_378, %swap3A_379, %swap3A_380] : memref<8x512x128xf32, #tpu.memory_space<vmem>>, vector<1x512x96xf32>
    %swap3A_382 = vector.shape_cast %swap3A_381 : vector<1x512x96xf32> to vector<512x96xf32>
    %swap3A_383 = vector.shape_cast %slice3A_377 : vector<512x96xf32> to vector<1x512x96xf32>
    tpu.vector_store %arg6[%swap3A_378, %swap3A_379, %swap3A_380], %swap3A_383 {strides = array<i32>} : memref<8x512x128xf32, #tpu.memory_space<vmem>>, vector<1x512x96xf32>,
    %slice3A_384 = vector.extract_strided_slice %mul3A_216 {offsets = [0, 192], sizes = [512, 96], strides = [1, 1]} : vector<512x768xf32> to vector<512x96xf32>
    %swap3A_385 = arith.constant 2 : index
    %swap3A_386 = arith.constant 0 : index
    %swap3A_387 = arith.constant 0 : index
    %swap3A_388 = vector.load %arg8[%swap3A_385, %swap3A_386, %swap3A_387] : memref<8x512x128xf32, #tpu.memory_space<vmem>>, vector<1x512x96xf32>
    %swap3A_389 = vector.shape_cast %swap3A_388 : vector<1x512x96xf32> to vector<512x96xf32>
    %swap3A_390 = vector.shape_cast %slice3A_384 : vector<512x96xf32> to vector<1x512x96xf32>
    tpu.vector_store %arg8[%swap3A_385, %swap3A_386, %swap3A_387], %swap3A_390 {strides = array<i32>} : memref<8x512x128xf32, #tpu.memory_space<vmem>>, vector<1x512x96xf32>,
    %dot_general3A_391 = arith.constant dense<0.000000e+00> : vector<1x512xf32>
    %dot_general3A_392 = tpu.matmul %convert_element_type3A_247, %convert_element_type3A_366, %dot_general3A_391 {dimension_numbers = #tpu.dot_dimension_numbers<[1], [1], [0], [0], [0, 0, 1, 0], [], []>, precision = #tpu.contract_precision<fp32>, transpose_lhs_hint = false} : vector<1x512xf32>, vector<512x512xf32>, vector<1x512xf32> -> vector<1x512xf32>
    %add3A_393 = arith.constant 5.000000e-01 : f32
    %add3A_394 = vector.broadcast %add3A_393 : f32 to vector<1x512xf32>
    %add3A_395 = arith.addf %dot_general3A_392, %add3A_394 : vector<1x512xf32>
    %convert_element_type3A_396 = arith.fptosi %add3A_395 : vector<1x512xf32> to vector<1x512xi32>
    %add3A_397 = arith.constant 1024 : i32
    %add3A_398 = vector.broadcast %add3A_397 : i32 to vector<1x512xi32>
    %add3A_399 = arith.addi %convert_element_type3A_396, %add3A_398 : vector<1x512xi32>
    %swap3A_400 = arith.constant 2 : index
    %swap3A_401 = arith.constant 0 : index
    %swap3A_402 = arith.constant 0 : index
    %swap3A_403 = vector.load %arg9[%swap3A_400, %swap3A_401, %swap3A_402] : memref<8x1x512xi32, #tpu.memory_space<vmem>>, vector<1x1x512xi32>
    %swap3A_404 = vector.shape_cast %swap3A_403 : vector<1x1x512xi32> to vector<1x512xi32>
    %swap3A_405 = vector.shape_cast %add3A_399 : vector<1x512xi32> to vector<1x1x512xi32>
    tpu.vector_store %arg9[%swap3A_400, %swap3A_401, %swap3A_402], %swap3A_405 {strides = array<i32>} : memref<8x1x512xi32, #tpu.memory_space<vmem>>, vector<1x1x512xi32>,
    %slice3A_406 = vector.extract_strided_slice %convert_element_type3A_236 {offsets = [3, 0], sizes = [1, 512], strides = [1, 1]} : vector<8x512xi32> to vector<1x512xi32>
    %add3A_407 = arith.constant 1 : i32
    %add3A_408 = vector.broadcast %add3A_407 : i32 to vector<512x512xi32>
    %add3A_409 = arith.addi %iota3A_245, %add3A_408 : vector<512x512xi32>
    %eq3A_410 = vector.broadcast %slice3A_406 : vector<1x512xi32> to vector<512x512xi32>
    %eq3A_411 = arith.cmpi eq, %eq3A_410, %add3A_409 : vector<512x512xi32>
    %slice3A_412 = vector.extract_strided_slice %transpose3A_220 {offsets = [3, 0], sizes = [1, 512], strides = [1, 1]} : vector<8x512xf32> to vector<1x512xf32>
    %gt3A_413 = arith.constant 5.000000e-01 : f32
    %gt3A_414 = vector.broadcast %gt3A_413 : f32 to vector<1x512xf32>
    %gt3A_415 = arith.cmpf ogt, %slice3A_412, %gt3A_414 : vector<1x512xf32>
    %and3A_416 = vector.broadcast %gt3A_415 : vector<1x512xi1> to vector<512x512xi1>
    %and3A_417 = arith.andi %eq3A_411, %and3A_416 : vector<512x512xi1>
    %convert_element_type3A_418 = arith.extui %and3A_417 : vector<512x512xi1> to vector<512x512xi32>
    %convert_element_type3A_419 = arith.sitofp %convert_element_type3A_418 : vector<512x512xi32> to vector<512x512xf32>
    %slice3A_420 = vector.extract_strided_slice %logistic3A_212 {offsets = [0, 288], sizes = [512, 96], strides = [1, 1]} : vector<512x768xf32> to vector<512x96xf32>
    %dot_general3A_421 = arith.constant dense<0.000000e+00> : vector<96x512xf32>
    %dot_general3A_422 = tpu.matmul %slice3A_420, %convert_element_type3A_419, %dot_general3A_421 {dimension_numbers = #tpu.dot_dimension_numbers<[0], [1], [1], [0], [0, 1, 1, 0], [], []>, transpose_lhs_hint = false} : vector<512x96xf32>, vector<512x512xf32>, vector<96x512xf32> -> vector<96x512xf32>
    %convert_element_type3A_423 = arith.truncf %dot_general3A_422 : vector<96x512xf32> to vector<96x512xbf16>
    %swap3A_424 = arith.constant 3 : index
    %swap3A_425 = arith.constant 0 : index
    %swap3A_426 = arith.constant 0 : index
    %swap3A_427 = vector.load %arg7[%swap3A_424, %swap3A_425, %swap3A_426] : memref<8x96x512xbf16, #tpu.memory_space<vmem>>, vector<1x96x512xbf16>
    %swap3A_428 = vector.shape_cast %swap3A_427 : vector<1x96x512xbf16> to vector<96x512xbf16>
    %swap3A_429 = vector.shape_cast %convert_element_type3A_423 : vector<96x512xbf16> to vector<1x96x512xbf16>
    tpu.vector_store %arg7[%swap3A_424, %swap3A_425, %swap3A_426], %swap3A_429 {strides = array<i32>} : memref<8x96x512xbf16, #tpu.memory_space<vmem>>, vector<1x96x512xbf16>,
    %slice3A_430 = vector.extract_strided_slice %logistic3A_198 {offsets = [0, 288], sizes = [512, 96], strides = [1, 1]} : vector<512x768xf32> to vector<512x96xf32>
    %swap3A_431 = arith.constant 3 : index
    %swap3A_432 = arith.constant 0 : index
    %swap3A_433 = arith.constant 0 : index
    %swap3A_434 = vector.load %arg6[%swap3A_431, %swap3A_432, %swap3A_433] : memref<8x512x128xf32, #tpu.memory_space<vmem>>, vector<1x512x96xf32>
    %swap3A_435 = vector.shape_cast %swap3A_434 : vector<1x512x96xf32> to vector<512x96xf32>
    %swap3A_436 = vector.shape_cast %slice3A_430 : vector<512x96xf32> to vector<1x512x96xf32>
    tpu.vector_store %arg6[%swap3A_431, %swap3A_432, %swap3A_433], %swap3A_436 {strides = array<i32>} : memref<8x512x128xf32, #tpu.memory_space<vmem>>, vector<1x512x96xf32>,
    %slice3A_437 = vector.extract_strided_slice %mul3A_216 {offsets = [0, 288], sizes = [512, 96], strides = [1, 1]} : vector<512x768xf32> to vector<512x96xf32>
    %swap3A_438 = arith.constant 3 : index
    %swap3A_439 = arith.constant 0 : index
    %swap3A_440 = arith.constant 0 : index
    %swap3A_441 = vector.load %arg8[%swap3A_438, %swap3A_439, %swap3A_440] : memref<8x512x128xf32, #tpu.memory_space<vmem>>, vector<1x512x96xf32>
    %swap3A_442 = vector.shape_cast %swap3A_441 : vector<1x512x96xf32> to vector<512x96xf32>
    %swap3A_443 = vector.shape_cast %slice3A_437 : vector<512x96xf32> to vector<1x512x96xf32>
    tpu.vector_store %arg8[%swap3A_438, %swap3A_439, %swap3A_440], %swap3A_443 {strides = array<i32>} : memref<8x512x128xf32, #tpu.memory_space<vmem>>, vector<1x512x96xf32>,
    %dot_general3A_444 = arith.constant dense<0.000000e+00> : vector<1x512xf32>
    %dot_general3A_445 = tpu.matmul %convert_element_type3A_247, %convert_element_type3A_419, %dot_general3A_444 {dimension_numbers = #tpu.dot_dimension_numbers<[1], [1], [0], [0], [0, 0, 1, 0], [], []>, precision = #tpu.contract_precision<fp32>, transpose_lhs_hint = false} : vector<1x512xf32>, vector<512x512xf32>, vector<1x512xf32> -> vector<1x512xf32>
    %add3A_446 = arith.constant 5.000000e-01 : f32
    %add3A_447 = vector.broadcast %add3A_446 : f32 to vector<1x512xf32>
    %add3A_448 = arith.addf %dot_general3A_445, %add3A_447 : vector<1x512xf32>
    %convert_element_type3A_449 = arith.fptosi %add3A_448 : vector<1x512xf32> to vector<1x512xi32>
    %add3A_450 = arith.constant 1536 : i32
    %add3A_451 = vector.broadcast %add3A_450 : i32 to vector<1x512xi32>
    %add3A_452 = arith.addi %convert_element_type3A_449, %add3A_451 : vector<1x512xi32>
    %swap3A_453 = arith.constant 3 : index
    %swap3A_454 = arith.constant 0 : index
    %swap3A_455 = arith.constant 0 : index
    %swap3A_456 = vector.load %arg9[%swap3A_453, %swap3A_454, %swap3A_455] : memref<8x1x512xi32, #tpu.memory_space<vmem>>, vector<1x1x512xi32>
    %swap3A_457 = vector.shape_cast %swap3A_456 : vector<1x1x512xi32> to vector<1x512xi32>
    %swap3A_458 = vector.shape_cast %add3A_452 : vector<1x512xi32> to vector<1x1x512xi32>
    tpu.vector_store %arg9[%swap3A_453, %swap3A_454, %swap3A_455], %swap3A_458 {strides = array<i32>} : memref<8x1x512xi32, #tpu.memory_space<vmem>>, vector<1x1x512xi32>,
    %slice3A_459 = vector.extract_strided_slice %convert_element_type3A_236 {offsets = [4, 0], sizes = [1, 512], strides = [1, 1]} : vector<8x512xi32> to vector<1x512xi32>
    %add3A_460 = arith.constant 1 : i32
    %add3A_461 = vector.broadcast %add3A_460 : i32 to vector<512x512xi32>
    %add3A_462 = arith.addi %iota3A_245, %add3A_461 : vector<512x512xi32>
    %eq3A_463 = vector.broadcast %slice3A_459 : vector<1x512xi32> to vector<512x512xi32>
    %eq3A_464 = arith.cmpi eq, %eq3A_463, %add3A_462 : vector<512x512xi32>
    %slice3A_465 = vector.extract_strided_slice %transpose3A_220 {offsets = [4, 0], sizes = [1, 512], strides = [1, 1]} : vector<8x512xf32> to vector<1x512xf32>
    %gt3A_466 = arith.constant 5.000000e-01 : f32
    %gt3A_467 = vector.broadcast %gt3A_466 : f32 to vector<1x512xf32>
    %gt3A_468 = arith.cmpf ogt, %slice3A_465, %gt3A_467 : vector<1x512xf32>
    %and3A_469 = vector.broadcast %gt3A_468 : vector<1x512xi1> to vector<512x512xi1>
    %and3A_470 = arith.andi %eq3A_464, %and3A_469 : vector<512x512xi1>
    %convert_element_type3A_471 = arith.extui %and3A_470 : vector<512x512xi1> to vector<512x512xi32>
    %convert_element_type3A_472 = arith.sitofp %convert_element_type3A_471 : vector<512x512xi32> to vector<512x512xf32>
    %slice3A_473 = vector.extract_strided_slice %logistic3A_212 {offsets = [0, 384], sizes = [512, 96], strides = [1, 1]} : vector<512x768xf32> to vector<512x96xf32>
    %dot_general3A_474 = arith.constant dense<0.000000e+00> : vector<96x512xf32>
    %dot_general3A_475 = tpu.matmul %slice3A_473, %convert_element_type3A_472, %dot_general3A_474 {dimension_numbers = #tpu.dot_dimension_numbers<[0], [1], [1], [0], [0, 1, 1, 0], [], []>, transpose_lhs_hint = false} : vector<512x96xf32>, vector<512x512xf32>, vector<96x512xf32> -> vector<96x512xf32>
    %convert_element_type3A_476 = arith.truncf %dot_general3A_475 : vector<96x512xf32> to vector<96x512xbf16>
    %swap3A_477 = arith.constant 4 : index
    %swap3A_478 = arith.constant 0 : index
    %swap3A_479 = arith.constant 0 : index
    %swap3A_480 = vector.load %arg7[%swap3A_477, %swap3A_478, %swap3A_479] : memref<8x96x512xbf16, #tpu.memory_space<vmem>>, vector<1x96x512xbf16>
    %swap3A_481 = vector.shape_cast %swap3A_480 : vector<1x96x512xbf16> to vector<96x512xbf16>
    %swap3A_482 = vector.shape_cast %convert_element_type3A_476 : vector<96x512xbf16> to vector<1x96x512xbf16>
    tpu.vector_store %arg7[%swap3A_477, %swap3A_478, %swap3A_479], %swap3A_482 {strides = array<i32>} : memref<8x96x512xbf16, #tpu.memory_space<vmem>>, vector<1x96x512xbf16>,
    %slice3A_483 = vector.extract_strided_slice %logistic3A_198 {offsets = [0, 384], sizes = [512, 96], strides = [1, 1]} : vector<512x768xf32> to vector<512x96xf32>
    %swap3A_484 = arith.constant 4 : index
    %swap3A_485 = arith.constant 0 : index
    %swap3A_486 = arith.constant 0 : index
    %swap3A_487 = vector.load %arg6[%swap3A_484, %swap3A_485, %swap3A_486] : memref<8x512x128xf32, #tpu.memory_space<vmem>>, vector<1x512x96xf32>
    %swap3A_488 = vector.shape_cast %swap3A_487 : vector<1x512x96xf32> to vector<512x96xf32>
    %swap3A_489 = vector.shape_cast %slice3A_483 : vector<512x96xf32> to vector<1x512x96xf32>
    tpu.vector_store %arg6[%swap3A_484, %swap3A_485, %swap3A_486], %swap3A_489 {strides = array<i32>} : memref<8x512x128xf32, #tpu.memory_space<vmem>>, vector<1x512x96xf32>,
    %slice3A_490 = vector.extract_strided_slice %mul3A_216 {offsets = [0, 384], sizes = [512, 96], strides = [1, 1]} : vector<512x768xf32> to vector<512x96xf32>
    %swap3A_491 = arith.constant 4 : index
    %swap3A_492 = arith.constant 0 : index
    %swap3A_493 = arith.constant 0 : index
    %swap3A_494 = vector.load %arg8[%swap3A_491, %swap3A_492, %swap3A_493] : memref<8x512x128xf32, #tpu.memory_space<vmem>>, vector<1x512x96xf32>
    %swap3A_495 = vector.shape_cast %swap3A_494 : vector<1x512x96xf32> to vector<512x96xf32>
    %swap3A_496 = vector.shape_cast %slice3A_490 : vector<512x96xf32> to vector<1x512x96xf32>
    tpu.vector_store %arg8[%swap3A_491, %swap3A_492, %swap3A_493], %swap3A_496 {strides = array<i32>} : memref<8x512x128xf32, #tpu.memory_space<vmem>>, vector<1x512x96xf32>,
    %dot_general3A_497 = arith.constant dense<0.000000e+00> : vector<1x512xf32>
    %dot_general3A_498 = tpu.matmul %convert_element_type3A_247, %convert_element_type3A_472, %dot_general3A_497 {dimension_numbers = #tpu.dot_dimension_numbers<[1], [1], [0], [0], [0, 0, 1, 0], [], []>, precision = #tpu.contract_precision<fp32>, transpose_lhs_hint = false} : vector<1x512xf32>, vector<512x512xf32>, vector<1x512xf32> -> vector<1x512xf32>
    %add3A_499 = arith.constant 5.000000e-01 : f32
    %add3A_500 = vector.broadcast %add3A_499 : f32 to vector<1x512xf32>
    %add3A_501 = arith.addf %dot_general3A_498, %add3A_500 : vector<1x512xf32>
    %convert_element_type3A_502 = arith.fptosi %add3A_501 : vector<1x512xf32> to vector<1x512xi32>
    %add3A_503 = arith.constant 2048 : i32
    %add3A_504 = vector.broadcast %add3A_503 : i32 to vector<1x512xi32>
    %add3A_505 = arith.addi %convert_element_type3A_502, %add3A_504 : vector<1x512xi32>
    %swap3A_506 = arith.constant 4 : index
    %swap3A_507 = arith.constant 0 : index
    %swap3A_508 = arith.constant 0 : index
    %swap3A_509 = vector.load %arg9[%swap3A_506, %swap3A_507, %swap3A_508] : memref<8x1x512xi32, #tpu.memory_space<vmem>>, vector<1x1x512xi32>
    %swap3A_510 = vector.shape_cast %swap3A_509 : vector<1x1x512xi32> to vector<1x512xi32>
    %swap3A_511 = vector.shape_cast %add3A_505 : vector<1x512xi32> to vector<1x1x512xi32>
    tpu.vector_store %arg9[%swap3A_506, %swap3A_507, %swap3A_508], %swap3A_511 {strides = array<i32>} : memref<8x1x512xi32, #tpu.memory_space<vmem>>, vector<1x1x512xi32>,
    %slice3A_512 = vector.extract_strided_slice %convert_element_type3A_236 {offsets = [5, 0], sizes = [1, 512], strides = [1, 1]} : vector<8x512xi32> to vector<1x512xi32>
    %add3A_513 = arith.constant 1 : i32
    %add3A_514 = vector.broadcast %add3A_513 : i32 to vector<512x512xi32>
    %add3A_515 = arith.addi %iota3A_245, %add3A_514 : vector<512x512xi32>
    %eq3A_516 = vector.broadcast %slice3A_512 : vector<1x512xi32> to vector<512x512xi32>
    %eq3A_517 = arith.cmpi eq, %eq3A_516, %add3A_515 : vector<512x512xi32>
    %slice3A_518 = vector.extract_strided_slice %transpose3A_220 {offsets = [5, 0], sizes = [1, 512], strides = [1, 1]} : vector<8x512xf32> to vector<1x512xf32>
    %gt3A_519 = arith.constant 5.000000e-01 : f32
    %gt3A_520 = vector.broadcast %gt3A_519 : f32 to vector<1x512xf32>
    %gt3A_521 = arith.cmpf ogt, %slice3A_518, %gt3A_520 : vector<1x512xf32>
    %and3A_522 = vector.broadcast %gt3A_521 : vector<1x512xi1> to vector<512x512xi1>
    %and3A_523 = arith.andi %eq3A_517, %and3A_522 : vector<512x512xi1>
    %convert_element_type3A_524 = arith.extui %and3A_523 : vector<512x512xi1> to vector<512x512xi32>
    %convert_element_type3A_525 = arith.sitofp %convert_element_type3A_524 : vector<512x512xi32> to vector<512x512xf32>
    %slice3A_526 = vector.extract_strided_slice %logistic3A_212 {offsets = [0, 480], sizes = [512, 96], strides = [1, 1]} : vector<512x768xf32> to vector<512x96xf32>
    %dot_general3A_527 = arith.constant dense<0.000000e+00> : vector<96x512xf32>
    %dot_general3A_528 = tpu.matmul %slice3A_526, %convert_element_type3A_525, %dot_general3A_527 {dimension_numbers = #tpu.dot_dimension_numbers<[0], [1], [1], [0], [0, 1, 1, 0], [], []>, transpose_lhs_hint = false} : vector<512x96xf32>, vector<512x512xf32>, vector<96x512xf32> -> vector<96x512xf32>
    %convert_element_type3A_529 = arith.truncf %dot_general3A_528 : vector<96x512xf32> to vector<96x512xbf16>
    %swap3A_530 = arith.constant 5 : index
    %swap3A_531 = arith.constant 0 : index
    %swap3A_532 = arith.constant 0 : index
    %swap3A_533 = vector.load %arg7[%swap3A_530, %swap3A_531, %swap3A_532] : memref<8x96x512xbf16, #tpu.memory_space<vmem>>, vector<1x96x512xbf16>
    %swap3A_534 = vector.shape_cast %swap3A_533 : vector<1x96x512xbf16> to vector<96x512xbf16>
    %swap3A_535 = vector.shape_cast %convert_element_type3A_529 : vector<96x512xbf16> to vector<1x96x512xbf16>
    tpu.vector_store %arg7[%swap3A_530, %swap3A_531, %swap3A_532], %swap3A_535 {strides = array<i32>} : memref<8x96x512xbf16, #tpu.memory_space<vmem>>, vector<1x96x512xbf16>,
    %slice3A_536 = vector.extract_strided_slice %logistic3A_198 {offsets = [0, 480], sizes = [512, 96], strides = [1, 1]} : vector<512x768xf32> to vector<512x96xf32>
    %swap3A_537 = arith.constant 5 : index
    %swap3A_538 = arith.constant 0 : index
    %swap3A_539 = arith.constant 0 : index
    %swap3A_540 = vector.load %arg6[%swap3A_537, %swap3A_538, %swap3A_539] : memref<8x512x128xf32, #tpu.memory_space<vmem>>, vector<1x512x96xf32>
    %swap3A_541 = vector.shape_cast %swap3A_540 : vector<1x512x96xf32> to vector<512x96xf32>
    %swap3A_542 = vector.shape_cast %slice3A_536 : vector<512x96xf32> to vector<1x512x96xf32>
    tpu.vector_store %arg6[%swap3A_537, %swap3A_538, %swap3A_539], %swap3A_542 {strides = array<i32>} : memref<8x512x128xf32, #tpu.memory_space<vmem>>, vector<1x512x96xf32>,
    %slice3A_543 = vector.extract_strided_slice %mul3A_216 {offsets = [0, 480], sizes = [512, 96], strides = [1, 1]} : vector<512x768xf32> to vector<512x96xf32>
    %swap3A_544 = arith.constant 5 : index
    %swap3A_545 = arith.constant 0 : index
    %swap3A_546 = arith.constant 0 : index
    %swap3A_547 = vector.load %arg8[%swap3A_544, %swap3A_545, %swap3A_546] : memref<8x512x128xf32, #tpu.memory_space<vmem>>, vector<1x512x96xf32>
    %swap3A_548 = vector.shape_cast %swap3A_547 : vector<1x512x96xf32> to vector<512x96xf32>
    %swap3A_549 = vector.shape_cast %slice3A_543 : vector<512x96xf32> to vector<1x512x96xf32>
    tpu.vector_store %arg8[%swap3A_544, %swap3A_545, %swap3A_546], %swap3A_549 {strides = array<i32>} : memref<8x512x128xf32, #tpu.memory_space<vmem>>, vector<1x512x96xf32>,
    %dot_general3A_550 = arith.constant dense<0.000000e+00> : vector<1x512xf32>
    %dot_general3A_551 = tpu.matmul %convert_element_type3A_247, %convert_element_type3A_525, %dot_general3A_550 {dimension_numbers = #tpu.dot_dimension_numbers<[1], [1], [0], [0], [0, 0, 1, 0], [], []>, precision = #tpu.contract_precision<fp32>, transpose_lhs_hint = false} : vector<1x512xf32>, vector<512x512xf32>, vector<1x512xf32> -> vector<1x512xf32>
    %add3A_552 = arith.constant 5.000000e-01 : f32
    %add3A_553 = vector.broadcast %add3A_552 : f32 to vector<1x512xf32>
    %add3A_554 = arith.addf %dot_general3A_551, %add3A_553 : vector<1x512xf32>
    %convert_element_type3A_555 = arith.fptosi %add3A_554 : vector<1x512xf32> to vector<1x512xi32>
    %add3A_556 = arith.constant 2560 : i32
    %add3A_557 = vector.broadcast %add3A_556 : i32 to vector<1x512xi32>
    %add3A_558 = arith.addi %convert_element_type3A_555, %add3A_557 : vector<1x512xi32>
    %swap3A_559 = arith.constant 5 : index
    %swap3A_560 = arith.constant 0 : index
    %swap3A_561 = arith.constant 0 : index
    %swap3A_562 = vector.load %arg9[%swap3A_559, %swap3A_560, %swap3A_561] : memref<8x1x512xi32, #tpu.memory_space<vmem>>, vector<1x1x512xi32>
    %swap3A_563 = vector.shape_cast %swap3A_562 : vector<1x1x512xi32> to vector<1x512xi32>
    %swap3A_564 = vector.shape_cast %add3A_558 : vector<1x512xi32> to vector<1x1x512xi32>
    tpu.vector_store %arg9[%swap3A_559, %swap3A_560, %swap3A_561], %swap3A_564 {strides = array<i32>} : memref<8x1x512xi32, #tpu.memory_space<vmem>>, vector<1x1x512xi32>,
    %slice3A_565 = vector.extract_strided_slice %convert_element_type3A_236 {offsets = [6, 0], sizes = [1, 512], strides = [1, 1]} : vector<8x512xi32> to vector<1x512xi32>
    %add3A_566 = arith.constant 1 : i32
    %add3A_567 = vector.broadcast %add3A_566 : i32 to vector<512x512xi32>
    %add3A_568 = arith.addi %iota3A_245, %add3A_567 : vector<512x512xi32>
    %eq3A_569 = vector.broadcast %slice3A_565 : vector<1x512xi32> to vector<512x512xi32>
    %eq3A_570 = arith.cmpi eq, %eq3A_569, %add3A_568 : vector<512x512xi32>
    %slice3A_571 = vector.extract_strided_slice %transpose3A_220 {offsets = [6, 0], sizes = [1, 512], strides = [1, 1]} : vector<8x512xf32> to vector<1x512xf32>
    %gt3A_572 = arith.constant 5.000000e-01 : f32
    %gt3A_573 = vector.broadcast %gt3A_572 : f32 to vector<1x512xf32>
    %gt3A_574 = arith.cmpf ogt, %slice3A_571, %gt3A_573 : vector<1x512xf32>
    %and3A_575 = vector.broadcast %gt3A_574 : vector<1x512xi1> to vector<512x512xi1>
    %and3A_576 = arith.andi %eq3A_570, %and3A_575 : vector<512x512xi1>
    %convert_element_type3A_577 = arith.extui %and3A_576 : vector<512x512xi1> to vector<512x512xi32>
    %convert_element_type3A_578 = arith.sitofp %convert_element_type3A_577 : vector<512x512xi32> to vector<512x512xf32>
    %slice3A_579 = vector.extract_strided_slice %logistic3A_212 {offsets = [0, 576], sizes = [512, 96], strides = [1, 1]} : vector<512x768xf32> to vector<512x96xf32>
    %dot_general3A_580 = arith.constant dense<0.000000e+00> : vector<96x512xf32>
    %dot_general3A_581 = tpu.matmul %slice3A_579, %convert_element_type3A_578, %dot_general3A_580 {dimension_numbers = #tpu.dot_dimension_numbers<[0], [1], [1], [0], [0, 1, 1, 0], [], []>, transpose_lhs_hint = false} : vector<512x96xf32>, vector<512x512xf32>, vector<96x512xf32> -> vector<96x512xf32>
    %convert_element_type3A_582 = arith.truncf %dot_general3A_581 : vector<96x512xf32> to vector<96x512xbf16>
    %swap3A_583 = arith.constant 6 : index
    %swap3A_584 = arith.constant 0 : index
    %swap3A_585 = arith.constant 0 : index
    %swap3A_586 = vector.load %arg7[%swap3A_583, %swap3A_584, %swap3A_585] : memref<8x96x512xbf16, #tpu.memory_space<vmem>>, vector<1x96x512xbf16>
    %swap3A_587 = vector.shape_cast %swap3A_586 : vector<1x96x512xbf16> to vector<96x512xbf16>
    %swap3A_588 = vector.shape_cast %convert_element_type3A_582 : vector<96x512xbf16> to vector<1x96x512xbf16>
    tpu.vector_store %arg7[%swap3A_583, %swap3A_584, %swap3A_585], %swap3A_588 {strides = array<i32>} : memref<8x96x512xbf16, #tpu.memory_space<vmem>>, vector<1x96x512xbf16>,
    %slice3A_589 = vector.extract_strided_slice %logistic3A_198 {offsets = [0, 576], sizes = [512, 96], strides = [1, 1]} : vector<512x768xf32> to vector<512x96xf32>
    %swap3A_590 = arith.constant 6 : index
    %swap3A_591 = arith.constant 0 : index
    %swap3A_592 = arith.constant 0 : index
    %swap3A_593 = vector.load %arg6[%swap3A_590, %swap3A_591, %swap3A_592] : memref<8x512x128xf32, #tpu.memory_space<vmem>>, vector<1x512x96xf32>
    %swap3A_594 = vector.shape_cast %swap3A_593 : vector<1x512x96xf32> to vector<512x96xf32>
    %swap3A_595 = vector.shape_cast %slice3A_589 : vector<512x96xf32> to vector<1x512x96xf32>
    tpu.vector_store %arg6[%swap3A_590, %swap3A_591, %swap3A_592], %swap3A_595 {strides = array<i32>} : memref<8x512x128xf32, #tpu.memory_space<vmem>>, vector<1x512x96xf32>,
    %slice3A_596 = vector.extract_strided_slice %mul3A_216 {offsets = [0, 576], sizes = [512, 96], strides = [1, 1]} : vector<512x768xf32> to vector<512x96xf32>
    %swap3A_597 = arith.constant 6 : index
    %swap3A_598 = arith.constant 0 : index
    %swap3A_599 = arith.constant 0 : index
    %swap3A_600 = vector.load %arg8[%swap3A_597, %swap3A_598, %swap3A_599] : memref<8x512x128xf32, #tpu.memory_space<vmem>>, vector<1x512x96xf32>
    %swap3A_601 = vector.shape_cast %swap3A_600 : vector<1x512x96xf32> to vector<512x96xf32>
    %swap3A_602 = vector.shape_cast %slice3A_596 : vector<512x96xf32> to vector<1x512x96xf32>
    tpu.vector_store %arg8[%swap3A_597, %swap3A_598, %swap3A_599], %swap3A_602 {strides = array<i32>} : memref<8x512x128xf32, #tpu.memory_space<vmem>>, vector<1x512x96xf32>,
    %dot_general3A_603 = arith.constant dense<0.000000e+00> : vector<1x512xf32>
    %dot_general3A_604 = tpu.matmul %convert_element_type3A_247, %convert_element_type3A_578, %dot_general3A_603 {dimension_numbers = #tpu.dot_dimension_numbers<[1], [1], [0], [0], [0, 0, 1, 0], [], []>, precision = #tpu.contract_precision<fp32>, transpose_lhs_hint = false} : vector<1x512xf32>, vector<512x512xf32>, vector<1x512xf32> -> vector<1x512xf32>
    %add3A_605 = arith.constant 5.000000e-01 : f32
    %add3A_606 = vector.broadcast %add3A_605 : f32 to vector<1x512xf32>
    %add3A_607 = arith.addf %dot_general3A_604, %add3A_606 : vector<1x512xf32>
    %convert_element_type3A_608 = arith.fptosi %add3A_607 : vector<1x512xf32> to vector<1x512xi32>
    %add3A_609 = arith.constant 3072 : i32
    %add3A_610 = vector.broadcast %add3A_609 : i32 to vector<1x512xi32>
    %add3A_611 = arith.addi %convert_element_type3A_608, %add3A_610 : vector<1x512xi32>
    %swap3A_612 = arith.constant 6 : index
    %swap3A_613 = arith.constant 0 : index
    %swap3A_614 = arith.constant 0 : index
    %swap3A_615 = vector.load %arg9[%swap3A_612, %swap3A_613, %swap3A_614] : memref<8x1x512xi32, #tpu.memory_space<vmem>>, vector<1x1x512xi32>
    %swap3A_616 = vector.shape_cast %swap3A_615 : vector<1x1x512xi32> to vector<1x512xi32>
    %swap3A_617 = vector.shape_cast %add3A_611 : vector<1x512xi32> to vector<1x1x512xi32>
    tpu.vector_store %arg9[%swap3A_612, %swap3A_613, %swap3A_614], %swap3A_617 {strides = array<i32>} : memref<8x1x512xi32, #tpu.memory_space<vmem>>, vector<1x1x512xi32>,
    %slice3A_618 = vector.extract_strided_slice %convert_element_type3A_236 {offsets = [7, 0], sizes = [1, 512], strides = [1, 1]} : vector<8x512xi32> to vector<1x512xi32>
    %add3A_619 = arith.constant 1 : i32
    %add3A_620 = vector.broadcast %add3A_619 : i32 to vector<512x512xi32>
    %add3A_621 = arith.addi %iota3A_245, %add3A_620 : vector<512x512xi32>
    %eq3A_622 = vector.broadcast %slice3A_618 : vector<1x512xi32> to vector<512x512xi32>
    %eq3A_623 = arith.cmpi eq, %eq3A_622, %add3A_621 : vector<512x512xi32>
    %slice3A_624 = vector.extract_strided_slice %transpose3A_220 {offsets = [7, 0], sizes = [1, 512], strides = [1, 1]} : vector<8x512xf32> to vector<1x512xf32>
    %gt3A_625 = arith.constant 5.000000e-01 : f32
    %gt3A_626 = vector.broadcast %gt3A_625 : f32 to vector<1x512xf32>
    %gt3A_627 = arith.cmpf ogt, %slice3A_624, %gt3A_626 : vector<1x512xf32>
    %and3A_628 = vector.broadcast %gt3A_627 : vector<1x512xi1> to vector<512x512xi1>
    %and3A_629 = arith.andi %eq3A_623, %and3A_628 : vector<512x512xi1>
    %convert_element_type3A_630 = arith.extui %and3A_629 : vector<512x512xi1> to vector<512x512xi32>
    %convert_element_type3A_631 = arith.sitofp %convert_element_type3A_630 : vector<512x512xi32> to vector<512x512xf32>
    %slice3A_632 = vector.extract_strided_slice %logistic3A_212 {offsets = [0, 672], sizes = [512, 96], strides = [1, 1]} : vector<512x768xf32> to vector<512x96xf32>
    %dot_general3A_633 = arith.constant dense<0.000000e+00> : vector<96x512xf32>
    %dot_general3A_634 = tpu.matmul %slice3A_632, %convert_element_type3A_631, %dot_general3A_633 {dimension_numbers = #tpu.dot_dimension_numbers<[0], [1], [1], [0], [0, 1, 1, 0], [], []>, transpose_lhs_hint = false} : vector<512x96xf32>, vector<512x512xf32>, vector<96x512xf32> -> vector<96x512xf32>
    %convert_element_type3A_635 = arith.truncf %dot_general3A_634 : vector<96x512xf32> to vector<96x512xbf16>
    %swap3A_636 = arith.constant 7 : index
    %swap3A_637 = arith.constant 0 : index
    %swap3A_638 = arith.constant 0 : index
    %swap3A_639 = vector.load %arg7[%swap3A_636, %swap3A_637, %swap3A_638] : memref<8x96x512xbf16, #tpu.memory_space<vmem>>, vector<1x96x512xbf16>
    %swap3A_640 = vector.shape_cast %swap3A_639 : vector<1x96x512xbf16> to vector<96x512xbf16>
    %swap3A_641 = vector.shape_cast %convert_element_type3A_635 : vector<96x512xbf16> to vector<1x96x512xbf16>
    tpu.vector_store %arg7[%swap3A_636, %swap3A_637, %swap3A_638], %swap3A_641 {strides = array<i32>} : memref<8x96x512xbf16, #tpu.memory_space<vmem>>, vector<1x96x512xbf16>,
    %slice3A_642 = vector.extract_strided_slice %logistic3A_198 {offsets = [0, 672], sizes = [512, 96], strides = [1, 1]} : vector<512x768xf32> to vector<512x96xf32>
    %swap3A_643 = arith.constant 7 : index
    %swap3A_644 = arith.constant 0 : index
    %swap3A_645 = arith.constant 0 : index
    %swap3A_646 = vector.load %arg6[%swap3A_643, %swap3A_644, %swap3A_645] : memref<8x512x128xf32, #tpu.memory_space<vmem>>, vector<1x512x96xf32>
    %swap3A_647 = vector.shape_cast %swap3A_646 : vector<1x512x96xf32> to vector<512x96xf32>
    %swap3A_648 = vector.shape_cast %slice3A_642 : vector<512x96xf32> to vector<1x512x96xf32>
    tpu.vector_store %arg6[%swap3A_643, %swap3A_644, %swap3A_645], %swap3A_648 {strides = array<i32>} : memref<8x512x128xf32, #tpu.memory_space<vmem>>, vector<1x512x96xf32>,
    %slice3A_649 = vector.extract_strided_slice %mul3A_216 {offsets = [0, 672], sizes = [512, 96], strides = [1, 1]} : vector<512x768xf32> to vector<512x96xf32>
    %swap3A_650 = arith.constant 7 : index
    %swap3A_651 = arith.constant 0 : index
    %swap3A_652 = arith.constant 0 : index
    %swap3A_653 = vector.load %arg8[%swap3A_650, %swap3A_651, %swap3A_652] : memref<8x512x128xf32, #tpu.memory_space<vmem>>, vector<1x512x96xf32>
    %swap3A_654 = vector.shape_cast %swap3A_653 : vector<1x512x96xf32> to vector<512x96xf32>
    %swap3A_655 = vector.shape_cast %slice3A_649 : vector<512x96xf32> to vector<1x512x96xf32>
    tpu.vector_store %arg8[%swap3A_650, %swap3A_651, %swap3A_652], %swap3A_655 {strides = array<i32>} : memref<8x512x128xf32, #tpu.memory_space<vmem>>, vector<1x512x96xf32>,
    %dot_general3A_656 = arith.constant dense<0.000000e+00> : vector<1x512xf32>
    %dot_general3A_657 = tpu.matmul %convert_element_type3A_247, %convert_element_type3A_631, %dot_general3A_656 {dimension_numbers = #tpu.dot_dimension_numbers<[1], [1], [0], [0], [0, 0, 1, 0], [], []>, precision = #tpu.contract_precision<fp32>, transpose_lhs_hint = false} : vector<1x512xf32>, vector<512x512xf32>, vector<1x512xf32> -> vector<1x512xf32>
    %add3A_658 = arith.constant 5.000000e-01 : f32
    %add3A_659 = vector.broadcast %add3A_658 : f32 to vector<1x512xf32>
    %add3A_660 = arith.addf %dot_general3A_657, %add3A_659 : vector<1x512xf32>
    %convert_element_type3A_661 = arith.fptosi %add3A_660 : vector<1x512xf32> to vector<1x512xi32>
    %add3A_662 = arith.constant 3584 : i32
    %add3A_663 = vector.broadcast %add3A_662 : i32 to vector<1x512xi32>
    %add3A_664 = arith.addi %convert_element_type3A_661, %add3A_663 : vector<1x512xi32>
    %swap3A_665 = arith.constant 7 : index
    %swap3A_666 = arith.constant 0 : index
    %swap3A_667 = arith.constant 0 : index
    %swap3A_668 = vector.load %arg9[%swap3A_665, %swap3A_666, %swap3A_667] : memref<8x1x512xi32, #tpu.memory_space<vmem>>, vector<1x1x512xi32>
    %swap3A_669 = vector.shape_cast %swap3A_668 : vector<1x1x512xi32> to vector<1x512xi32>
    %swap3A_670 = vector.shape_cast %add3A_664 : vector<1x512xi32> to vector<1x1x512xi32>
    tpu.vector_store %arg9[%swap3A_665, %swap3A_666, %swap3A_667], %swap3A_670 {strides = array<i32>} : memref<8x1x512xi32, #tpu.memory_space<vmem>>, vector<1x1x512xi32>,
    return
  }
}

module attributes {stable_mosaic.version = 14 : i64} {
  func.func @_outproj_kernel(%arg0: memref<8x512x96xf32, #tpu.memory_space<vmem>>, %arg1: memref<8x1x512xi32, #tpu.memory_space<vmem>>, %arg2: memref<8x1x512xf32, #tpu.memory_space<vmem>>, %arg3: memref<8x1x512xf32, #tpu.memory_space<vmem>>, %arg4: memref<768x768xf32, #tpu.memory_space<vmem>>, %arg5: memref<512x768xf32, #tpu.memory_space<vmem>>) attributes {dimension_semantics = [], scalar_prefetch = 0 : i64, scratch_operands = 0 : i64, tpu.core_type = #tpu.core_type<tc>} {
    %get3A = arith.constant 0 : index
    %get3A_0 = arith.constant 0 : index
    %get3A_1 = vector.load %arg4[%get3A, %get3A_0] : memref<768x768xf32, #tpu.memory_space<vmem>>, vector<768x768xf32>
    %logistic3A = arith.negf %get3A_1 : vector<768x768xf32>
    %logistic3A_2 = math.exp %logistic3A : vector<768x768xf32>
    %logistic3A_3 = arith.constant 1.000000e+00 : f32
    %logistic3A_4 = vector.broadcast %logistic3A_3 : f32 to vector<768x768xf32>
    %logistic3A_5 = arith.addf %logistic3A_4, %logistic3A_2 : vector<768x768xf32>
    %logistic3A_6 = arith.divf %logistic3A_4, %logistic3A_5 : vector<768x768xf32>
    %iota3A = tpu.iota {dimensions = array<i32: 0>} : vector<512x512xi32>
    %broadcast_in_dim3A = arith.constant 0.000000e+00 : f32
    %broadcast_in_dim3A_7 = vector.broadcast %broadcast_in_dim3A : f32 to vector<512x768xf32>
    %get3A_8 = arith.constant 0 : index
    %get3A_9 = arith.constant 0 : index
    %get3A_10 = arith.constant 0 : index
    %get3A_11 = vector.load %arg1[%get3A_8, %get3A_9, %get3A_10] : memref<8x1x512xi32, #tpu.memory_space<vmem>>, vector<1x1x512xi32>
    %get3A_12 = vector.shape_cast %get3A_11 : vector<1x1x512xi32> to vector<1x512xi32>
    %add3A = arith.constant 1 : i32
    %add3A_13 = vector.broadcast %add3A : i32 to vector<512x512xi32>
    %add3A_14 = arith.addi %iota3A, %add3A_13 : vector<512x512xi32>
    %eq3A = vector.broadcast %get3A_12 : vector<1x512xi32> to vector<512x512xi32>
    %eq3A_15 = arith.cmpi eq, %eq3A, %add3A_14 : vector<512x512xi32>
    %get3A_16 = arith.constant 0 : index
    %get3A_17 = arith.constant 0 : index
    %get3A_18 = arith.constant 0 : index
    %get3A_19 = vector.load %arg2[%get3A_16, %get3A_17, %get3A_18] : memref<8x1x512xf32, #tpu.memory_space<vmem>>, vector<1x1x512xf32>
    %get3A_20 = vector.shape_cast %get3A_19 : vector<1x1x512xf32> to vector<1x512xf32>
    %gt3A = arith.constant 5.000000e-01 : f32
    %gt3A_21 = vector.broadcast %gt3A : f32 to vector<1x512xf32>
    %gt3A_22 = arith.cmpf ogt, %get3A_20, %gt3A_21 : vector<1x512xf32>
    %and3A = vector.broadcast %gt3A_22 : vector<1x512xi1> to vector<512x512xi1>
    %and3A_23 = arith.andi %eq3A_15, %and3A : vector<512x512xi1>
    %get3A_24 = arith.constant 0 : index
    %get3A_25 = arith.constant 0 : index
    %get3A_26 = arith.constant 0 : index
    %get3A_27 = vector.load %arg3[%get3A_24, %get3A_25, %get3A_26] : memref<8x1x512xf32, #tpu.memory_space<vmem>>, vector<1x1x512xf32>
    %get3A_28 = vector.shape_cast %get3A_27 : vector<1x1x512xf32> to vector<1x512xf32>
    %jit3A = arith.constant 0.000000e+00 : f32
    %broadcast_in_dim3A_29 = vector.shape_cast %get3A_28 : vector<1x512xf32> to vector<1x512xf32>
    %broadcast_in_dim3A_30 = vector.broadcast %broadcast_in_dim3A_29 : vector<1x512xf32> to vector<512x512xf32>
    %broadcast_in_dim3A_31 = vector.broadcast %jit3A : f32 to vector<512x512xf32>
    %select_n3A = arith.select %and3A_23, %broadcast_in_dim3A_30, %broadcast_in_dim3A_31 : vector<512x512xi1>, vector<512x512xf32>
    %get3A_32 = arith.constant 0 : index
    %get3A_33 = arith.constant 0 : index
    %get3A_34 = arith.constant 0 : index
    %get3A_35 = vector.load %arg0[%get3A_32, %get3A_33, %get3A_34] : memref<8x512x96xf32, #tpu.memory_space<vmem>>, vector<1x512x96xf32>
    %get3A_36 = vector.shape_cast %get3A_35 : vector<1x512x96xf32> to vector<512x96xf32>
    %dot_general3A = arith.constant dense<0.000000e+00> : vector<512x96xf32>
    %dot_general3A_37 = tpu.matmul %select_n3A, %get3A_36, %dot_general3A {dimension_numbers = #tpu.dot_dimension_numbers<[0], [0], [1], [1], [0, 1, 1, 1], [], []>, transpose_lhs_hint = false} : vector<512x512xf32>, vector<512x96xf32>, vector<512x96xf32> -> vector<512x96xf32>
    %slice3A = vector.extract_strided_slice %logistic3A_6 {offsets = [0, 0], sizes = [768, 96], strides = [1, 1]} : vector<768x768xf32> to vector<768x96xf32>
    %dot_general3A_38 = arith.constant dense<0.000000e+00> : vector<512x768xf32>
    %dot_general3A_39 = tpu.matmul %dot_general3A_37, %slice3A, %dot_general3A_38 {dimension_numbers = #tpu.dot_dimension_numbers<[1], [1], [0], [0], [0, 0, 1, 0], [], []>, transpose_lhs_hint = false} : vector<512x96xf32>, vector<768x96xf32>, vector<512x768xf32> -> vector<512x768xf32>
    %add3A_40 = arith.addf %broadcast_in_dim3A_7, %dot_general3A_39 : vector<512x768xf32>
    %get3A_41 = arith.constant 1 : index
    %get3A_42 = arith.constant 0 : index
    %get3A_43 = arith.constant 0 : index
    %get3A_44 = vector.load %arg1[%get3A_41, %get3A_42, %get3A_43] : memref<8x1x512xi32, #tpu.memory_space<vmem>>, vector<1x1x512xi32>
    %get3A_45 = vector.shape_cast %get3A_44 : vector<1x1x512xi32> to vector<1x512xi32>
    %add3A_46 = arith.constant 1 : i32
    %add3A_47 = vector.broadcast %add3A_46 : i32 to vector<512x512xi32>
    %add3A_48 = arith.addi %iota3A, %add3A_47 : vector<512x512xi32>
    %eq3A_49 = vector.broadcast %get3A_45 : vector<1x512xi32> to vector<512x512xi32>
    %eq3A_50 = arith.cmpi eq, %eq3A_49, %add3A_48 : vector<512x512xi32>
    %get3A_51 = arith.constant 1 : index
    %get3A_52 = arith.constant 0 : index
    %get3A_53 = arith.constant 0 : index
    %get3A_54 = vector.load %arg2[%get3A_51, %get3A_52, %get3A_53] : memref<8x1x512xf32, #tpu.memory_space<vmem>>, vector<1x1x512xf32>
    %get3A_55 = vector.shape_cast %get3A_54 : vector<1x1x512xf32> to vector<1x512xf32>
    %gt3A_56 = arith.constant 5.000000e-01 : f32
    %gt3A_57 = vector.broadcast %gt3A_56 : f32 to vector<1x512xf32>
    %gt3A_58 = arith.cmpf ogt, %get3A_55, %gt3A_57 : vector<1x512xf32>
    %and3A_59 = vector.broadcast %gt3A_58 : vector<1x512xi1> to vector<512x512xi1>
    %and3A_60 = arith.andi %eq3A_50, %and3A_59 : vector<512x512xi1>
    %get3A_61 = arith.constant 1 : index
    %get3A_62 = arith.constant 0 : index
    %get3A_63 = arith.constant 0 : index
    %get3A_64 = vector.load %arg3[%get3A_61, %get3A_62, %get3A_63] : memref<8x1x512xf32, #tpu.memory_space<vmem>>, vector<1x1x512xf32>
    %get3A_65 = vector.shape_cast %get3A_64 : vector<1x1x512xf32> to vector<1x512xf32>
    %jit3A_66 = arith.constant 0.000000e+00 : f32
    %broadcast_in_dim3A_67 = vector.shape_cast %get3A_65 : vector<1x512xf32> to vector<1x512xf32>
    %broadcast_in_dim3A_68 = vector.broadcast %broadcast_in_dim3A_67 : vector<1x512xf32> to vector<512x512xf32>
    %broadcast_in_dim3A_69 = vector.broadcast %jit3A_66 : f32 to vector<512x512xf32>
    %select_n3A_70 = arith.select %and3A_60, %broadcast_in_dim3A_68, %broadcast_in_dim3A_69 : vector<512x512xi1>, vector<512x512xf32>
    %get3A_71 = arith.constant 1 : index
    %get3A_72 = arith.constant 0 : index
    %get3A_73 = arith.constant 0 : index
    %get3A_74 = vector.load %arg0[%get3A_71, %get3A_72, %get3A_73] : memref<8x512x96xf32, #tpu.memory_space<vmem>>, vector<1x512x96xf32>
    %get3A_75 = vector.shape_cast %get3A_74 : vector<1x512x96xf32> to vector<512x96xf32>
    %dot_general3A_76 = arith.constant dense<0.000000e+00> : vector<512x96xf32>
    %dot_general3A_77 = tpu.matmul %select_n3A_70, %get3A_75, %dot_general3A_76 {dimension_numbers = #tpu.dot_dimension_numbers<[0], [0], [1], [1], [0, 1, 1, 1], [], []>, transpose_lhs_hint = false} : vector<512x512xf32>, vector<512x96xf32>, vector<512x96xf32> -> vector<512x96xf32>
    %slice3A_78 = vector.extract_strided_slice %logistic3A_6 {offsets = [0, 96], sizes = [768, 96], strides = [1, 1]} : vector<768x768xf32> to vector<768x96xf32>
    %dot_general3A_79 = arith.constant dense<0.000000e+00> : vector<512x768xf32>
    %dot_general3A_80 = tpu.matmul %dot_general3A_77, %slice3A_78, %dot_general3A_79 {dimension_numbers = #tpu.dot_dimension_numbers<[1], [1], [0], [0], [0, 0, 1, 0], [], []>, transpose_lhs_hint = false} : vector<512x96xf32>, vector<768x96xf32>, vector<512x768xf32> -> vector<512x768xf32>
    %add3A_81 = arith.addf %add3A_40, %dot_general3A_80 : vector<512x768xf32>
    %get3A_82 = arith.constant 2 : index
    %get3A_83 = arith.constant 0 : index
    %get3A_84 = arith.constant 0 : index
    %get3A_85 = vector.load %arg1[%get3A_82, %get3A_83, %get3A_84] : memref<8x1x512xi32, #tpu.memory_space<vmem>>, vector<1x1x512xi32>
    %get3A_86 = vector.shape_cast %get3A_85 : vector<1x1x512xi32> to vector<1x512xi32>
    %add3A_87 = arith.constant 1 : i32
    %add3A_88 = vector.broadcast %add3A_87 : i32 to vector<512x512xi32>
    %add3A_89 = arith.addi %iota3A, %add3A_88 : vector<512x512xi32>
    %eq3A_90 = vector.broadcast %get3A_86 : vector<1x512xi32> to vector<512x512xi32>
    %eq3A_91 = arith.cmpi eq, %eq3A_90, %add3A_89 : vector<512x512xi32>
    %get3A_92 = arith.constant 2 : index
    %get3A_93 = arith.constant 0 : index
    %get3A_94 = arith.constant 0 : index
    %get3A_95 = vector.load %arg2[%get3A_92, %get3A_93, %get3A_94] : memref<8x1x512xf32, #tpu.memory_space<vmem>>, vector<1x1x512xf32>
    %get3A_96 = vector.shape_cast %get3A_95 : vector<1x1x512xf32> to vector<1x512xf32>
    %gt3A_97 = arith.constant 5.000000e-01 : f32
    %gt3A_98 = vector.broadcast %gt3A_97 : f32 to vector<1x512xf32>
    %gt3A_99 = arith.cmpf ogt, %get3A_96, %gt3A_98 : vector<1x512xf32>
    %and3A_100 = vector.broadcast %gt3A_99 : vector<1x512xi1> to vector<512x512xi1>
    %and3A_101 = arith.andi %eq3A_91, %and3A_100 : vector<512x512xi1>
    %get3A_102 = arith.constant 2 : index
    %get3A_103 = arith.constant 0 : index
    %get3A_104 = arith.constant 0 : index
    %get3A_105 = vector.load %arg3[%get3A_102, %get3A_103, %get3A_104] : memref<8x1x512xf32, #tpu.memory_space<vmem>>, vector<1x1x512xf32>
    %get3A_106 = vector.shape_cast %get3A_105 : vector<1x1x512xf32> to vector<1x512xf32>
    %jit3A_107 = arith.constant 0.000000e+00 : f32
    %broadcast_in_dim3A_108 = vector.shape_cast %get3A_106 : vector<1x512xf32> to vector<1x512xf32>
    %broadcast_in_dim3A_109 = vector.broadcast %broadcast_in_dim3A_108 : vector<1x512xf32> to vector<512x512xf32>
    %broadcast_in_dim3A_110 = vector.broadcast %jit3A_107 : f32 to vector<512x512xf32>
    %select_n3A_111 = arith.select %and3A_101, %broadcast_in_dim3A_109, %broadcast_in_dim3A_110 : vector<512x512xi1>, vector<512x512xf32>
    %get3A_112 = arith.constant 2 : index
    %get3A_113 = arith.constant 0 : index
    %get3A_114 = arith.constant 0 : index
    %get3A_115 = vector.load %arg0[%get3A_112, %get3A_113, %get3A_114] : memref<8x512x96xf32, #tpu.memory_space<vmem>>, vector<1x512x96xf32>
    %get3A_116 = vector.shape_cast %get3A_115 : vector<1x512x96xf32> to vector<512x96xf32>
    %dot_general3A_117 = arith.constant dense<0.000000e+00> : vector<512x96xf32>
    %dot_general3A_118 = tpu.matmul %select_n3A_111, %get3A_116, %dot_general3A_117 {dimension_numbers = #tpu.dot_dimension_numbers<[0], [0], [1], [1], [0, 1, 1, 1], [], []>, transpose_lhs_hint = false} : vector<512x512xf32>, vector<512x96xf32>, vector<512x96xf32> -> vector<512x96xf32>
    %slice3A_119 = vector.extract_strided_slice %logistic3A_6 {offsets = [0, 192], sizes = [768, 96], strides = [1, 1]} : vector<768x768xf32> to vector<768x96xf32>
    %dot_general3A_120 = arith.constant dense<0.000000e+00> : vector<512x768xf32>
    %dot_general3A_121 = tpu.matmul %dot_general3A_118, %slice3A_119, %dot_general3A_120 {dimension_numbers = #tpu.dot_dimension_numbers<[1], [1], [0], [0], [0, 0, 1, 0], [], []>, transpose_lhs_hint = false} : vector<512x96xf32>, vector<768x96xf32>, vector<512x768xf32> -> vector<512x768xf32>
    %add3A_122 = arith.addf %add3A_81, %dot_general3A_121 : vector<512x768xf32>
    %get3A_123 = arith.constant 3 : index
    %get3A_124 = arith.constant 0 : index
    %get3A_125 = arith.constant 0 : index
    %get3A_126 = vector.load %arg1[%get3A_123, %get3A_124, %get3A_125] : memref<8x1x512xi32, #tpu.memory_space<vmem>>, vector<1x1x512xi32>
    %get3A_127 = vector.shape_cast %get3A_126 : vector<1x1x512xi32> to vector<1x512xi32>
    %add3A_128 = arith.constant 1 : i32
    %add3A_129 = vector.broadcast %add3A_128 : i32 to vector<512x512xi32>
    %add3A_130 = arith.addi %iota3A, %add3A_129 : vector<512x512xi32>
    %eq3A_131 = vector.broadcast %get3A_127 : vector<1x512xi32> to vector<512x512xi32>
    %eq3A_132 = arith.cmpi eq, %eq3A_131, %add3A_130 : vector<512x512xi32>
    %get3A_133 = arith.constant 3 : index
    %get3A_134 = arith.constant 0 : index
    %get3A_135 = arith.constant 0 : index
    %get3A_136 = vector.load %arg2[%get3A_133, %get3A_134, %get3A_135] : memref<8x1x512xf32, #tpu.memory_space<vmem>>, vector<1x1x512xf32>
    %get3A_137 = vector.shape_cast %get3A_136 : vector<1x1x512xf32> to vector<1x512xf32>
    %gt3A_138 = arith.constant 5.000000e-01 : f32
    %gt3A_139 = vector.broadcast %gt3A_138 : f32 to vector<1x512xf32>
    %gt3A_140 = arith.cmpf ogt, %get3A_137, %gt3A_139 : vector<1x512xf32>
    %and3A_141 = vector.broadcast %gt3A_140 : vector<1x512xi1> to vector<512x512xi1>
    %and3A_142 = arith.andi %eq3A_132, %and3A_141 : vector<512x512xi1>
    %get3A_143 = arith.constant 3 : index
    %get3A_144 = arith.constant 0 : index
    %get3A_145 = arith.constant 0 : index
    %get3A_146 = vector.load %arg3[%get3A_143, %get3A_144, %get3A_145] : memref<8x1x512xf32, #tpu.memory_space<vmem>>, vector<1x1x512xf32>
    %get3A_147 = vector.shape_cast %get3A_146 : vector<1x1x512xf32> to vector<1x512xf32>
    %jit3A_148 = arith.constant 0.000000e+00 : f32
    %broadcast_in_dim3A_149 = vector.shape_cast %get3A_147 : vector<1x512xf32> to vector<1x512xf32>
    %broadcast_in_dim3A_150 = vector.broadcast %broadcast_in_dim3A_149 : vector<1x512xf32> to vector<512x512xf32>
    %broadcast_in_dim3A_151 = vector.broadcast %jit3A_148 : f32 to vector<512x512xf32>
    %select_n3A_152 = arith.select %and3A_142, %broadcast_in_dim3A_150, %broadcast_in_dim3A_151 : vector<512x512xi1>, vector<512x512xf32>
    %get3A_153 = arith.constant 3 : index
    %get3A_154 = arith.constant 0 : index
    %get3A_155 = arith.constant 0 : index
    %get3A_156 = vector.load %arg0[%get3A_153, %get3A_154, %get3A_155] : memref<8x512x96xf32, #tpu.memory_space<vmem>>, vector<1x512x96xf32>
    %get3A_157 = vector.shape_cast %get3A_156 : vector<1x512x96xf32> to vector<512x96xf32>
    %dot_general3A_158 = arith.constant dense<0.000000e+00> : vector<512x96xf32>
    %dot_general3A_159 = tpu.matmul %select_n3A_152, %get3A_157, %dot_general3A_158 {dimension_numbers = #tpu.dot_dimension_numbers<[0], [0], [1], [1], [0, 1, 1, 1], [], []>, transpose_lhs_hint = false} : vector<512x512xf32>, vector<512x96xf32>, vector<512x96xf32> -> vector<512x96xf32>
    %slice3A_160 = vector.extract_strided_slice %logistic3A_6 {offsets = [0, 288], sizes = [768, 96], strides = [1, 1]} : vector<768x768xf32> to vector<768x96xf32>
    %dot_general3A_161 = arith.constant dense<0.000000e+00> : vector<512x768xf32>
    %dot_general3A_162 = tpu.matmul %dot_general3A_159, %slice3A_160, %dot_general3A_161 {dimension_numbers = #tpu.dot_dimension_numbers<[1], [1], [0], [0], [0, 0, 1, 0], [], []>, transpose_lhs_hint = false} : vector<512x96xf32>, vector<768x96xf32>, vector<512x768xf32> -> vector<512x768xf32>
    %add3A_163 = arith.addf %add3A_122, %dot_general3A_162 : vector<512x768xf32>
    %get3A_164 = arith.constant 4 : index
    %get3A_165 = arith.constant 0 : index
    %get3A_166 = arith.constant 0 : index
    %get3A_167 = vector.load %arg1[%get3A_164, %get3A_165, %get3A_166] : memref<8x1x512xi32, #tpu.memory_space<vmem>>, vector<1x1x512xi32>
    %get3A_168 = vector.shape_cast %get3A_167 : vector<1x1x512xi32> to vector<1x512xi32>
    %add3A_169 = arith.constant 1 : i32
    %add3A_170 = vector.broadcast %add3A_169 : i32 to vector<512x512xi32>
    %add3A_171 = arith.addi %iota3A, %add3A_170 : vector<512x512xi32>
    %eq3A_172 = vector.broadcast %get3A_168 : vector<1x512xi32> to vector<512x512xi32>
    %eq3A_173 = arith.cmpi eq, %eq3A_172, %add3A_171 : vector<512x512xi32>
    %get3A_174 = arith.constant 4 : index
    %get3A_175 = arith.constant 0 : index
    %get3A_176 = arith.constant 0 : index
    %get3A_177 = vector.load %arg2[%get3A_174, %get3A_175, %get3A_176] : memref<8x1x512xf32, #tpu.memory_space<vmem>>, vector<1x1x512xf32>
    %get3A_178 = vector.shape_cast %get3A_177 : vector<1x1x512xf32> to vector<1x512xf32>
    %gt3A_179 = arith.constant 5.000000e-01 : f32
    %gt3A_180 = vector.broadcast %gt3A_179 : f32 to vector<1x512xf32>
    %gt3A_181 = arith.cmpf ogt, %get3A_178, %gt3A_180 : vector<1x512xf32>
    %and3A_182 = vector.broadcast %gt3A_181 : vector<1x512xi1> to vector<512x512xi1>
    %and3A_183 = arith.andi %eq3A_173, %and3A_182 : vector<512x512xi1>
    %get3A_184 = arith.constant 4 : index
    %get3A_185 = arith.constant 0 : index
    %get3A_186 = arith.constant 0 : index
    %get3A_187 = vector.load %arg3[%get3A_184, %get3A_185, %get3A_186] : memref<8x1x512xf32, #tpu.memory_space<vmem>>, vector<1x1x512xf32>
    %get3A_188 = vector.shape_cast %get3A_187 : vector<1x1x512xf32> to vector<1x512xf32>
    %jit3A_189 = arith.constant 0.000000e+00 : f32
    %broadcast_in_dim3A_190 = vector.shape_cast %get3A_188 : vector<1x512xf32> to vector<1x512xf32>
    %broadcast_in_dim3A_191 = vector.broadcast %broadcast_in_dim3A_190 : vector<1x512xf32> to vector<512x512xf32>
    %broadcast_in_dim3A_192 = vector.broadcast %jit3A_189 : f32 to vector<512x512xf32>
    %select_n3A_193 = arith.select %and3A_183, %broadcast_in_dim3A_191, %broadcast_in_dim3A_192 : vector<512x512xi1>, vector<512x512xf32>
    %get3A_194 = arith.constant 4 : index
    %get3A_195 = arith.constant 0 : index
    %get3A_196 = arith.constant 0 : index
    %get3A_197 = vector.load %arg0[%get3A_194, %get3A_195, %get3A_196] : memref<8x512x96xf32, #tpu.memory_space<vmem>>, vector<1x512x96xf32>
    %get3A_198 = vector.shape_cast %get3A_197 : vector<1x512x96xf32> to vector<512x96xf32>
    %dot_general3A_199 = arith.constant dense<0.000000e+00> : vector<512x96xf32>
    %dot_general3A_200 = tpu.matmul %select_n3A_193, %get3A_198, %dot_general3A_199 {dimension_numbers = #tpu.dot_dimension_numbers<[0], [0], [1], [1], [0, 1, 1, 1], [], []>, transpose_lhs_hint = false} : vector<512x512xf32>, vector<512x96xf32>, vector<512x96xf32> -> vector<512x96xf32>
    %slice3A_201 = vector.extract_strided_slice %logistic3A_6 {offsets = [0, 384], sizes = [768, 96], strides = [1, 1]} : vector<768x768xf32> to vector<768x96xf32>
    %dot_general3A_202 = arith.constant dense<0.000000e+00> : vector<512x768xf32>
    %dot_general3A_203 = tpu.matmul %dot_general3A_200, %slice3A_201, %dot_general3A_202 {dimension_numbers = #tpu.dot_dimension_numbers<[1], [1], [0], [0], [0, 0, 1, 0], [], []>, transpose_lhs_hint = false} : vector<512x96xf32>, vector<768x96xf32>, vector<512x768xf32> -> vector<512x768xf32>
    %add3A_204 = arith.addf %add3A_163, %dot_general3A_203 : vector<512x768xf32>
    %get3A_205 = arith.constant 5 : index
    %get3A_206 = arith.constant 0 : index
    %get3A_207 = arith.constant 0 : index
    %get3A_208 = vector.load %arg1[%get3A_205, %get3A_206, %get3A_207] : memref<8x1x512xi32, #tpu.memory_space<vmem>>, vector<1x1x512xi32>
    %get3A_209 = vector.shape_cast %get3A_208 : vector<1x1x512xi32> to vector<1x512xi32>
    %add3A_210 = arith.constant 1 : i32
    %add3A_211 = vector.broadcast %add3A_210 : i32 to vector<512x512xi32>
    %add3A_212 = arith.addi %iota3A, %add3A_211 : vector<512x512xi32>
    %eq3A_213 = vector.broadcast %get3A_209 : vector<1x512xi32> to vector<512x512xi32>
    %eq3A_214 = arith.cmpi eq, %eq3A_213, %add3A_212 : vector<512x512xi32>
    %get3A_215 = arith.constant 5 : index
    %get3A_216 = arith.constant 0 : index
    %get3A_217 = arith.constant 0 : index
    %get3A_218 = vector.load %arg2[%get3A_215, %get3A_216, %get3A_217] : memref<8x1x512xf32, #tpu.memory_space<vmem>>, vector<1x1x512xf32>
    %get3A_219 = vector.shape_cast %get3A_218 : vector<1x1x512xf32> to vector<1x512xf32>
    %gt3A_220 = arith.constant 5.000000e-01 : f32
    %gt3A_221 = vector.broadcast %gt3A_220 : f32 to vector<1x512xf32>
    %gt3A_222 = arith.cmpf ogt, %get3A_219, %gt3A_221 : vector<1x512xf32>
    %and3A_223 = vector.broadcast %gt3A_222 : vector<1x512xi1> to vector<512x512xi1>
    %and3A_224 = arith.andi %eq3A_214, %and3A_223 : vector<512x512xi1>
    %get3A_225 = arith.constant 5 : index
    %get3A_226 = arith.constant 0 : index
    %get3A_227 = arith.constant 0 : index
    %get3A_228 = vector.load %arg3[%get3A_225, %get3A_226, %get3A_227] : memref<8x1x512xf32, #tpu.memory_space<vmem>>, vector<1x1x512xf32>
    %get3A_229 = vector.shape_cast %get3A_228 : vector<1x1x512xf32> to vector<1x512xf32>
    %jit3A_230 = arith.constant 0.000000e+00 : f32
    %broadcast_in_dim3A_231 = vector.shape_cast %get3A_229 : vector<1x512xf32> to vector<1x512xf32>
    %broadcast_in_dim3A_232 = vector.broadcast %broadcast_in_dim3A_231 : vector<1x512xf32> to vector<512x512xf32>
    %broadcast_in_dim3A_233 = vector.broadcast %jit3A_230 : f32 to vector<512x512xf32>
    %select_n3A_234 = arith.select %and3A_224, %broadcast_in_dim3A_232, %broadcast_in_dim3A_233 : vector<512x512xi1>, vector<512x512xf32>
    %get3A_235 = arith.constant 5 : index
    %get3A_236 = arith.constant 0 : index
    %get3A_237 = arith.constant 0 : index
    %get3A_238 = vector.load %arg0[%get3A_235, %get3A_236, %get3A_237] : memref<8x512x96xf32, #tpu.memory_space<vmem>>, vector<1x512x96xf32>
    %get3A_239 = vector.shape_cast %get3A_238 : vector<1x512x96xf32> to vector<512x96xf32>
    %dot_general3A_240 = arith.constant dense<0.000000e+00> : vector<512x96xf32>
    %dot_general3A_241 = tpu.matmul %select_n3A_234, %get3A_239, %dot_general3A_240 {dimension_numbers = #tpu.dot_dimension_numbers<[0], [0], [1], [1], [0, 1, 1, 1], [], []>, transpose_lhs_hint = false} : vector<512x512xf32>, vector<512x96xf32>, vector<512x96xf32> -> vector<512x96xf32>
    %slice3A_242 = vector.extract_strided_slice %logistic3A_6 {offsets = [0, 480], sizes = [768, 96], strides = [1, 1]} : vector<768x768xf32> to vector<768x96xf32>
    %dot_general3A_243 = arith.constant dense<0.000000e+00> : vector<512x768xf32>
    %dot_general3A_244 = tpu.matmul %dot_general3A_241, %slice3A_242, %dot_general3A_243 {dimension_numbers = #tpu.dot_dimension_numbers<[1], [1], [0], [0], [0, 0, 1, 0], [], []>, transpose_lhs_hint = false} : vector<512x96xf32>, vector<768x96xf32>, vector<512x768xf32> -> vector<512x768xf32>
    %add3A_245 = arith.addf %add3A_204, %dot_general3A_244 : vector<512x768xf32>
    %get3A_246 = arith.constant 6 : index
    %get3A_247 = arith.constant 0 : index
    %get3A_248 = arith.constant 0 : index
    %get3A_249 = vector.load %arg1[%get3A_246, %get3A_247, %get3A_248] : memref<8x1x512xi32, #tpu.memory_space<vmem>>, vector<1x1x512xi32>
    %get3A_250 = vector.shape_cast %get3A_249 : vector<1x1x512xi32> to vector<1x512xi32>
    %add3A_251 = arith.constant 1 : i32
    %add3A_252 = vector.broadcast %add3A_251 : i32 to vector<512x512xi32>
    %add3A_253 = arith.addi %iota3A, %add3A_252 : vector<512x512xi32>
    %eq3A_254 = vector.broadcast %get3A_250 : vector<1x512xi32> to vector<512x512xi32>
    %eq3A_255 = arith.cmpi eq, %eq3A_254, %add3A_253 : vector<512x512xi32>
    %get3A_256 = arith.constant 6 : index
    %get3A_257 = arith.constant 0 : index
    %get3A_258 = arith.constant 0 : index
    %get3A_259 = vector.load %arg2[%get3A_256, %get3A_257, %get3A_258] : memref<8x1x512xf32, #tpu.memory_space<vmem>>, vector<1x1x512xf32>
    %get3A_260 = vector.shape_cast %get3A_259 : vector<1x1x512xf32> to vector<1x512xf32>
    %gt3A_261 = arith.constant 5.000000e-01 : f32
    %gt3A_262 = vector.broadcast %gt3A_261 : f32 to vector<1x512xf32>
    %gt3A_263 = arith.cmpf ogt, %get3A_260, %gt3A_262 : vector<1x512xf32>
    %and3A_264 = vector.broadcast %gt3A_263 : vector<1x512xi1> to vector<512x512xi1>
    %and3A_265 = arith.andi %eq3A_255, %and3A_264 : vector<512x512xi1>
    %get3A_266 = arith.constant 6 : index
    %get3A_267 = arith.constant 0 : index
    %get3A_268 = arith.constant 0 : index
    %get3A_269 = vector.load %arg3[%get3A_266, %get3A_267, %get3A_268] : memref<8x1x512xf32, #tpu.memory_space<vmem>>, vector<1x1x512xf32>
    %get3A_270 = vector.shape_cast %get3A_269 : vector<1x1x512xf32> to vector<1x512xf32>
    %jit3A_271 = arith.constant 0.000000e+00 : f32
    %broadcast_in_dim3A_272 = vector.shape_cast %get3A_270 : vector<1x512xf32> to vector<1x512xf32>
    %broadcast_in_dim3A_273 = vector.broadcast %broadcast_in_dim3A_272 : vector<1x512xf32> to vector<512x512xf32>
    %broadcast_in_dim3A_274 = vector.broadcast %jit3A_271 : f32 to vector<512x512xf32>
    %select_n3A_275 = arith.select %and3A_265, %broadcast_in_dim3A_273, %broadcast_in_dim3A_274 : vector<512x512xi1>, vector<512x512xf32>
    %get3A_276 = arith.constant 6 : index
    %get3A_277 = arith.constant 0 : index
    %get3A_278 = arith.constant 0 : index
    %get3A_279 = vector.load %arg0[%get3A_276, %get3A_277, %get3A_278] : memref<8x512x96xf32, #tpu.memory_space<vmem>>, vector<1x512x96xf32>
    %get3A_280 = vector.shape_cast %get3A_279 : vector<1x512x96xf32> to vector<512x96xf32>
    %dot_general3A_281 = arith.constant dense<0.000000e+00> : vector<512x96xf32>
    %dot_general3A_282 = tpu.matmul %select_n3A_275, %get3A_280, %dot_general3A_281 {dimension_numbers = #tpu.dot_dimension_numbers<[0], [0], [1], [1], [0, 1, 1, 1], [], []>, transpose_lhs_hint = false} : vector<512x512xf32>, vector<512x96xf32>, vector<512x96xf32> -> vector<512x96xf32>
    %slice3A_283 = vector.extract_strided_slice %logistic3A_6 {offsets = [0, 576], sizes = [768, 96], strides = [1, 1]} : vector<768x768xf32> to vector<768x96xf32>
    %dot_general3A_284 = arith.constant dense<0.000000e+00> : vector<512x768xf32>
    %dot_general3A_285 = tpu.matmul %dot_general3A_282, %slice3A_283, %dot_general3A_284 {dimension_numbers = #tpu.dot_dimension_numbers<[1], [1], [0], [0], [0, 0, 1, 0], [], []>, transpose_lhs_hint = false} : vector<512x96xf32>, vector<768x96xf32>, vector<512x768xf32> -> vector<512x768xf32>
    %add3A_286 = arith.addf %add3A_245, %dot_general3A_285 : vector<512x768xf32>
    %get3A_287 = arith.constant 7 : index
    %get3A_288 = arith.constant 0 : index
    %get3A_289 = arith.constant 0 : index
    %get3A_290 = vector.load %arg1[%get3A_287, %get3A_288, %get3A_289] : memref<8x1x512xi32, #tpu.memory_space<vmem>>, vector<1x1x512xi32>
    %get3A_291 = vector.shape_cast %get3A_290 : vector<1x1x512xi32> to vector<1x512xi32>
    %add3A_292 = arith.constant 1 : i32
    %add3A_293 = vector.broadcast %add3A_292 : i32 to vector<512x512xi32>
    %add3A_294 = arith.addi %iota3A, %add3A_293 : vector<512x512xi32>
    %eq3A_295 = vector.broadcast %get3A_291 : vector<1x512xi32> to vector<512x512xi32>
    %eq3A_296 = arith.cmpi eq, %eq3A_295, %add3A_294 : vector<512x512xi32>
    %get3A_297 = arith.constant 7 : index
    %get3A_298 = arith.constant 0 : index
    %get3A_299 = arith.constant 0 : index
    %get3A_300 = vector.load %arg2[%get3A_297, %get3A_298, %get3A_299] : memref<8x1x512xf32, #tpu.memory_space<vmem>>, vector<1x1x512xf32>
    %get3A_301 = vector.shape_cast %get3A_300 : vector<1x1x512xf32> to vector<1x512xf32>
    %gt3A_302 = arith.constant 5.000000e-01 : f32
    %gt3A_303 = vector.broadcast %gt3A_302 : f32 to vector<1x512xf32>
    %gt3A_304 = arith.cmpf ogt, %get3A_301, %gt3A_303 : vector<1x512xf32>
    %and3A_305 = vector.broadcast %gt3A_304 : vector<1x512xi1> to vector<512x512xi1>
    %and3A_306 = arith.andi %eq3A_296, %and3A_305 : vector<512x512xi1>
    %get3A_307 = arith.constant 7 : index
    %get3A_308 = arith.constant 0 : index
    %get3A_309 = arith.constant 0 : index
    %get3A_310 = vector.load %arg3[%get3A_307, %get3A_308, %get3A_309] : memref<8x1x512xf32, #tpu.memory_space<vmem>>, vector<1x1x512xf32>
    %get3A_311 = vector.shape_cast %get3A_310 : vector<1x1x512xf32> to vector<1x512xf32>
    %jit3A_312 = arith.constant 0.000000e+00 : f32
    %broadcast_in_dim3A_313 = vector.shape_cast %get3A_311 : vector<1x512xf32> to vector<1x512xf32>
    %broadcast_in_dim3A_314 = vector.broadcast %broadcast_in_dim3A_313 : vector<1x512xf32> to vector<512x512xf32>
    %broadcast_in_dim3A_315 = vector.broadcast %jit3A_312 : f32 to vector<512x512xf32>
    %select_n3A_316 = arith.select %and3A_306, %broadcast_in_dim3A_314, %broadcast_in_dim3A_315 : vector<512x512xi1>, vector<512x512xf32>
    %get3A_317 = arith.constant 7 : index
    %get3A_318 = arith.constant 0 : index
    %get3A_319 = arith.constant 0 : index
    %get3A_320 = vector.load %arg0[%get3A_317, %get3A_318, %get3A_319] : memref<8x512x96xf32, #tpu.memory_space<vmem>>, vector<1x512x96xf32>
    %get3A_321 = vector.shape_cast %get3A_320 : vector<1x512x96xf32> to vector<512x96xf32>
    %dot_general3A_322 = arith.constant dense<0.000000e+00> : vector<512x96xf32>
    %dot_general3A_323 = tpu.matmul %select_n3A_316, %get3A_321, %dot_general3A_322 {dimension_numbers = #tpu.dot_dimension_numbers<[0], [0], [1], [1], [0, 1, 1, 1], [], []>, transpose_lhs_hint = false} : vector<512x512xf32>, vector<512x96xf32>, vector<512x96xf32> -> vector<512x96xf32>
    %slice3A_324 = vector.extract_strided_slice %logistic3A_6 {offsets = [0, 672], sizes = [768, 96], strides = [1, 1]} : vector<768x768xf32> to vector<768x96xf32>
    %dot_general3A_325 = arith.constant dense<0.000000e+00> : vector<512x768xf32>
    %dot_general3A_326 = tpu.matmul %dot_general3A_323, %slice3A_324, %dot_general3A_325 {dimension_numbers = #tpu.dot_dimension_numbers<[1], [1], [0], [0], [0, 0, 1, 0], [], []>, transpose_lhs_hint = false} : vector<512x96xf32>, vector<768x96xf32>, vector<512x768xf32> -> vector<512x768xf32>
    %add3A_327 = arith.addf %add3A_286, %dot_general3A_326 : vector<512x768xf32>
    %swap3A = arith.constant 0 : index
    %swap3A_328 = arith.constant 0 : index
    %swap3A_329 = vector.load %arg5[%swap3A, %swap3A_328] : memref<512x768xf32, #tpu.memory_space<vmem>>, vector<512x768xf32>
    tpu.vector_store %arg5[%swap3A, %swap3A_328], %add3A_327 {strides = array<i32>} : memref<512x768xf32, #tpu.memory_space<vmem>>, vector<512x768xf32>,
    return
  }
}

module attributes {stable_mosaic.version = 14 : i64} {
  func.func @_attn_kernel(%arg0: i32, %arg1: memref<8xi32, #tpu.memory_space<smem>>, %arg2: memref<1x512x128xf32, #tpu.memory_space<vmem>>, %arg3: memref<1x96x512xbf16, #tpu.memory_space<vmem>>, %arg4: memref<1x512x128xf32, #tpu.memory_space<vmem>>, %arg5: memref<1x512x96xf32, #tpu.memory_space<vmem>>) attributes {dimension_semantics = [#tpu.dimension_semantics<arbitrary>], iteration_bounds = array<i64: 8>, scalar_prefetch = 1 : i64, scratch_operands = 0 : i64, tpu.core_type = #tpu.core_type<tc>, window_params = [{transform_indices = @transform_0, window_bounds = array<i64: 1, 512, 128>}, {transform_indices = @transform_1, window_bounds = array<i64: 1, 96, 512>}, {transform_indices = @transform_2, window_bounds = array<i64: 1, 512, 128>}, {transform_indices = @transform_3, window_bounds = array<i64: 1, 512, 96>}]} {
    %get3A = arith.index_cast %arg0 : i32 to index
    %get3A_0 = memref.load %arg1[%get3A] : memref<8xi32, #tpu.memory_space<smem>>
    %broadcast_in_dim3A = arith.constant 0.000000e+00 : f32
    %broadcast_in_dim3A_1 = vector.broadcast %broadcast_in_dim3A : f32 to vector<512x96xf32>
    %swap3A = arith.constant 0 : index
    %swap3A_2 = arith.constant 0 : index
    %swap3A_3 = arith.constant 0 : index
    %swap3A_4 = vector.load %arg5[%swap3A, %swap3A_2, %swap3A_3] : memref<1x512x96xf32, #tpu.memory_space<vmem>>, vector<1x512x96xf32>
    %swap3A_5 = vector.shape_cast %swap3A_4 : vector<1x512x96xf32> to vector<512x96xf32>
    %swap3A_6 = vector.shape_cast %broadcast_in_dim3A_1 : vector<512x96xf32> to vector<1x512x96xf32>
    tpu.vector_store %arg5[%swap3A, %swap3A_2, %swap3A_3], %swap3A_6 {strides = array<i32>} : memref<1x512x96xf32, #tpu.memory_space<vmem>>, vector<1x512x96xf32>,
    %add3A = arith.constant 64 : i32
    %add3A_7 = arith.addi %get3A_0, %add3A : i32
    %sub3A = arith.constant 1 : i32
    %sub3A_8 = arith.subi %add3A_7, %sub3A : i32
    %jit3A = arith.constant 64 : i32
    %div3A = arith.divsi %sub3A_8, %jit3A : i32
    %sign3A = arith.constant 0 : i32
    %sign3A_9 = arith.cmpi sgt, %sub3A_8, %sign3A : i32
    %sign3A_10 = arith.extui %sign3A_9 : i1 to i32
    %sign3A_11 = arith.constant 0 : i32
    %sign3A_12 = arith.cmpi slt, %sub3A_8, %sign3A_11 : i32
    %sign3A_13 = arith.extui %sign3A_12 : i1 to i32
    %sign3A_14 = arith.subi %sign3A_10, %sign3A_13 : i32
    %sign3A_15 = arith.constant 0 : i32
    %sign3A_16 = arith.cmpi sgt, %jit3A, %sign3A_15 : i32
    %sign3A_17 = arith.extui %sign3A_16 : i1 to i32
    %sign3A_18 = arith.constant 0 : i32
    %sign3A_19 = arith.cmpi slt, %jit3A, %sign3A_18 : i32
    %sign3A_20 = arith.extui %sign3A_19 : i1 to i32
    %sign3A_21 = arith.subi %sign3A_17, %sign3A_20 : i32
    %ne3A = arith.cmpi ne, %sign3A_14, %sign3A_21 : i32
    %rem3A = arith.remsi %sub3A_8, %jit3A : i32
    %ne3A_22 = arith.constant 0 : i32
    %ne3A_23 = arith.cmpi ne, %rem3A, %ne3A_22 : i32
    %and3A = arith.andi %ne3A, %ne3A_23 : i1
    %sub3A_24 = arith.constant 1 : i32
    %sub3A_25 = arith.subi %div3A, %sub3A_24 : i32
    %select_n3A = arith.select %and3A, %sub3A_25, %div3A : i32
    %while3A = arith.constant 0 : i32
    %while3A_26 = arith.constant 0 : i32
    %while3A_27 = arith.subi %select_n3A, %while3A_26 : i32
    %while3A_28 = arith.addi %while3A_26, %while3A_27 : i32
    %while3A_29 = arith.constant 1 : i32
    %while3A_30 = arith.divsi %while3A_27, %while3A_29 : i32
    %while3A_31 = arith.muli %while3A_30, %while3A_29 : i32
    %while3A_32 = arith.addi %while3A_26, %while3A_31 : i32
    %while3A_33 = arith.constant 1 : i32
    scf.for %while3A_35 = %while3A_26 to %while3A_32 step %while3A_33  : i32 {
      %mul3A = arith.constant 64 : i32
      %mul3A_36 = arith.muli %while3A_35, %mul3A : i32
      %get3A_37 = arith.constant 0 : index
      %get3A_38 = arith.index_cast %mul3A_36 : i32 to index
      %get3A_39 = arith.constant 0 : index
      %get3A_40 = vector.load %arg2[%get3A_37, %get3A_38, %get3A_39] : memref<1x512x128xf32, #tpu.memory_space<vmem>>, vector<1x64x128xf32>
      %get3A_41 = vector.shape_cast %get3A_40 : vector<1x64x128xf32> to vector<64x128xf32>
      %slice3A = vector.extract_strided_slice %get3A_41 {offsets = [0, 0], sizes = [64, 96], strides = [1, 1]} : vector<64x128xf32> to vector<64x96xf32>
      %convert_element_type3A = arith.truncf %slice3A : vector<64x96xf32> to vector<64x96xbf16>
      %broadcast_in_dim3A_42 = arith.constant 0.000000e+00 : f32
      %broadcast_in_dim3A_43 = vector.broadcast %broadcast_in_dim3A_42 : f32 to vector<64x96xf32>
      %broadcast_in_dim3A_44 = arith.constant 0.000000e+00 : f32
      %broadcast_in_dim3A_45 = vector.broadcast %broadcast_in_dim3A_44 : f32 to vector<64x1xf32>
      %gt3A = arith.constant 0 : i32
      %gt3A_46 = arith.cmpi sgt, %get3A_0, %gt3A : i32
      %convert_element_type3A_47 = arith.extui %gt3A_46 : i1 to i32
      %cond3A = arith.constant 0 : i32
      %cond3A_48 = arith.cmpi ne, %convert_element_type3A_47, %cond3A : i32
      %cond3A_49:2 = scf.if %cond3A_48 -> (vector<64x96xf32>, vector<64x1xf32>) {
        %get3A_98 = arith.constant 0 : index
        %get3A_99 = arith.constant 0 : index
        %get3A_100 = arith.constant 0 : index
        %get3A_101 = vector.load %arg3[%get3A_98, %get3A_99, %get3A_100] : memref<1x96x512xbf16, #tpu.memory_space<vmem>>, vector<1x96x128xbf16>
        %get3A_102 = vector.shape_cast %get3A_101 : vector<1x96x128xbf16> to vector<96x128xbf16>
        %get3A_103 = arith.constant 0 : index
        %get3A_104 = arith.constant 0 : index
        %get3A_105 = arith.constant 0 : index
        %get3A_106 = vector.load %arg4[%get3A_103, %get3A_104, %get3A_105] : memref<1x512x128xf32, #tpu.memory_space<vmem>>, vector<1x128x128xf32>
        %get3A_107 = vector.shape_cast %get3A_106 : vector<1x128x128xf32> to vector<128x128xf32>
        %slice3A_108 = vector.extract_strided_slice %get3A_107 {offsets = [0, 0], sizes = [128, 96], strides = [1, 1]} : vector<128x128xf32> to vector<128x96xf32>
        %broadcast_in_dim3A_109 = vector.shape_cast %convert_element_type3A : vector<64x96xbf16> to vector<64x96x1xbf16>
        %broadcast_in_dim3A_110 = vector.shape_cast %get3A_102 : vector<96x128xbf16> to vector<1x96x128xbf16>
        %sub3A_111 = vector.broadcast %broadcast_in_dim3A_109 : vector<64x96x1xbf16> to vector<64x96x128xbf16>
        %sub3A_112 = vector.broadcast %broadcast_in_dim3A_110 : vector<1x96x128xbf16> to vector<64x96x128xbf16>
        %sub3A_113 = arith.subf %sub3A_111, %sub3A_112 : vector<64x96x128xbf16>
        %max3A_114 = arith.constant 0.000000e+00 : bf16
        %max3A_115 = vector.broadcast %max3A_114 : bf16 to vector<64x96x128xbf16>
        %max3A_116 = arith.maximumf %sub3A_113, %max3A_115 : vector<64x96x128xbf16>
        %convert_element_type3A_117 = arith.extf %max3A_116 : vector<64x96x128xbf16> to vector<64x96x128xf32>
        %reduce_sum3A_118 = arith.constant dense<0.000000e+00> : vector<64x128xf32>
        %reduce_sum3A_119 = vector.multi_reduction <add>, %convert_element_type3A_117, %reduce_sum3A_118 [1] : vector<64x96x128xf32> to vector<64x128xf32>
        %mul3A_120 = arith.constant 0.010416667 : f32
        %mul3A_121 = vector.broadcast %mul3A_120 : f32 to vector<64x128xf32>
        %mul3A_122 = arith.mulf %reduce_sum3A_119, %mul3A_121 : vector<64x128xf32>
        %sub3A_123 = arith.constant 1.000000e+00 : f32
        %sub3A_124 = vector.broadcast %sub3A_123 : f32 to vector<64x128xf32>
        %sub3A_125 = arith.subf %sub3A_124, %mul3A_122 : vector<64x128xf32>
        %iota3A = tpu.iota {dimensions = array<i32: 1>} : vector<64x128xi32>
        %add3A_126 = arith.constant 0 : i32
        %add3A_127 = vector.broadcast %add3A_126 : i32 to vector<64x128xi32>
        %add3A_128 = arith.addi %add3A_127, %iota3A : vector<64x128xi32>
        %lt3A = vector.broadcast %get3A_0 : i32 to vector<64x128xi32>
        %lt3A_129 = arith.cmpi slt, %add3A_128, %lt3A : vector<64x128xi32>
        %jit3A_130 = arith.constant 0.000000e+00 : f32
        %broadcast_in_dim3A_131 = vector.broadcast %jit3A_130 : f32 to vector<64x128xf32>
        %select_n3A_132 = arith.select %lt3A_129, %sub3A_125, %broadcast_in_dim3A_131 : vector<64x128xi1>, vector<64x128xf32>
        %dot_general3A = arith.constant dense<0.000000e+00> : vector<64x96xf32>
        %dot_general3A_133 = tpu.matmul %select_n3A_132, %slice3A_108, %dot_general3A {dimension_numbers = #tpu.dot_dimension_numbers<[1], [0], [0], [1], [0, 0, 1, 1], [], []>, transpose_lhs_hint = false} : vector<64x128xf32>, vector<128x96xf32>, vector<64x96xf32> -> vector<64x96xf32>
        %add3A_134 = arith.addf %broadcast_in_dim3A_43, %dot_general3A_133 : vector<64x96xf32>
        %reduce_sum3A_135 = arith.constant dense<0.000000e+00> : vector<64xf32>
        %reduce_sum3A_136 = vector.multi_reduction <add>, %select_n3A_132, %reduce_sum3A_135 [1] : vector<64x128xf32> to vector<64xf32>
        %broadcast_in_dim3A_137 = vector.shape_cast %reduce_sum3A_136 : vector<64xf32> to vector<64x1xf32>
        %add3A_138 = arith.addf %broadcast_in_dim3A_45, %broadcast_in_dim3A_137 : vector<64x1xf32>
        scf.yield %add3A_134, %add3A_138 : vector<64x96xf32>, vector<64x1xf32>
      } else {
        scf.yield %broadcast_in_dim3A_43, %broadcast_in_dim3A_45 : vector<64x96xf32>, vector<64x1xf32>
      }
      %gt3A_50 = arith.constant 128 : i32
      %gt3A_51 = arith.cmpi sgt, %get3A_0, %gt3A_50 : i32
      %convert_element_type3A_52 = arith.extui %gt3A_51 : i1 to i32
      %cond3A_53 = arith.constant 0 : i32
      %cond3A_54 = arith.cmpi ne, %convert_element_type3A_52, %cond3A_53 : i32
      %cond3A_55:2 = scf.if %cond3A_54 -> (vector<64x96xf32>, vector<64x1xf32>) {
        %get3A_98 = arith.constant 0 : index
        %get3A_99 = arith.constant 0 : index
        %get3A_100 = arith.constant 128 : index
        %get3A_101 = vector.load %arg3[%get3A_98, %get3A_99, %get3A_100] : memref<1x96x512xbf16, #tpu.memory_space<vmem>>, vector<1x96x128xbf16>
        %get3A_102 = vector.shape_cast %get3A_101 : vector<1x96x128xbf16> to vector<96x128xbf16>
        %get3A_103 = arith.constant 0 : index
        %get3A_104 = arith.constant 128 : index
        %get3A_105 = arith.constant 0 : index
        %get3A_106 = vector.load %arg4[%get3A_103, %get3A_104, %get3A_105] : memref<1x512x128xf32, #tpu.memory_space<vmem>>, vector<1x128x128xf32>
        %get3A_107 = vector.shape_cast %get3A_106 : vector<1x128x128xf32> to vector<128x128xf32>
        %slice3A_108 = vector.extract_strided_slice %get3A_107 {offsets = [0, 0], sizes = [128, 96], strides = [1, 1]} : vector<128x128xf32> to vector<128x96xf32>
        %broadcast_in_dim3A_109 = vector.shape_cast %convert_element_type3A : vector<64x96xbf16> to vector<64x96x1xbf16>
        %broadcast_in_dim3A_110 = vector.shape_cast %get3A_102 : vector<96x128xbf16> to vector<1x96x128xbf16>
        %sub3A_111 = vector.broadcast %broadcast_in_dim3A_109 : vector<64x96x1xbf16> to vector<64x96x128xbf16>
        %sub3A_112 = vector.broadcast %broadcast_in_dim3A_110 : vector<1x96x128xbf16> to vector<64x96x128xbf16>
        %sub3A_113 = arith.subf %sub3A_111, %sub3A_112 : vector<64x96x128xbf16>
        %max3A_114 = arith.constant 0.000000e+00 : bf16
        %max3A_115 = vector.broadcast %max3A_114 : bf16 to vector<64x96x128xbf16>
        %max3A_116 = arith.maximumf %sub3A_113, %max3A_115 : vector<64x96x128xbf16>
        %convert_element_type3A_117 = arith.extf %max3A_116 : vector<64x96x128xbf16> to vector<64x96x128xf32>
        %reduce_sum3A_118 = arith.constant dense<0.000000e+00> : vector<64x128xf32>
        %reduce_sum3A_119 = vector.multi_reduction <add>, %convert_element_type3A_117, %reduce_sum3A_118 [1] : vector<64x96x128xf32> to vector<64x128xf32>
        %mul3A_120 = arith.constant 0.010416667 : f32
        %mul3A_121 = vector.broadcast %mul3A_120 : f32 to vector<64x128xf32>
        %mul3A_122 = arith.mulf %reduce_sum3A_119, %mul3A_121 : vector<64x128xf32>
        %sub3A_123 = arith.constant 1.000000e+00 : f32
        %sub3A_124 = vector.broadcast %sub3A_123 : f32 to vector<64x128xf32>
        %sub3A_125 = arith.subf %sub3A_124, %mul3A_122 : vector<64x128xf32>
        %iota3A = tpu.iota {dimensions = array<i32: 1>} : vector<64x128xi32>
        %add3A_126 = arith.constant 128 : i32
        %add3A_127 = vector.broadcast %add3A_126 : i32 to vector<64x128xi32>
        %add3A_128 = arith.addi %add3A_127, %iota3A : vector<64x128xi32>
        %lt3A = vector.broadcast %get3A_0 : i32 to vector<64x128xi32>
        %lt3A_129 = arith.cmpi slt, %add3A_128, %lt3A : vector<64x128xi32>
        %jit3A_130 = arith.constant 0.000000e+00 : f32
        %broadcast_in_dim3A_131 = vector.broadcast %jit3A_130 : f32 to vector<64x128xf32>
        %select_n3A_132 = arith.select %lt3A_129, %sub3A_125, %broadcast_in_dim3A_131 : vector<64x128xi1>, vector<64x128xf32>
        %dot_general3A = arith.constant dense<0.000000e+00> : vector<64x96xf32>
        %dot_general3A_133 = tpu.matmul %select_n3A_132, %slice3A_108, %dot_general3A {dimension_numbers = #tpu.dot_dimension_numbers<[1], [0], [0], [1], [0, 0, 1, 1], [], []>, transpose_lhs_hint = false} : vector<64x128xf32>, vector<128x96xf32>, vector<64x96xf32> -> vector<64x96xf32>
        %add3A_134 = arith.addf %cond3A_49#0, %dot_general3A_133 : vector<64x96xf32>
        %reduce_sum3A_135 = arith.constant dense<0.000000e+00> : vector<64xf32>
        %reduce_sum3A_136 = vector.multi_reduction <add>, %select_n3A_132, %reduce_sum3A_135 [1] : vector<64x128xf32> to vector<64xf32>
        %broadcast_in_dim3A_137 = vector.shape_cast %reduce_sum3A_136 : vector<64xf32> to vector<64x1xf32>
        %add3A_138 = arith.addf %cond3A_49#1, %broadcast_in_dim3A_137 : vector<64x1xf32>
        scf.yield %add3A_134, %add3A_138 : vector<64x96xf32>, vector<64x1xf32>
      } else {
        scf.yield %cond3A_49#0, %cond3A_49#1 : vector<64x96xf32>, vector<64x1xf32>
      }
      %gt3A_56 = arith.constant 256 : i32
      %gt3A_57 = arith.cmpi sgt, %get3A_0, %gt3A_56 : i32
      %convert_element_type3A_58 = arith.extui %gt3A_57 : i1 to i32
      %cond3A_59 = arith.constant 0 : i32
      %cond3A_60 = arith.cmpi ne, %convert_element_type3A_58, %cond3A_59 : i32
      %cond3A_61:2 = scf.if %cond3A_60 -> (vector<64x96xf32>, vector<64x1xf32>) {
        %get3A_98 = arith.constant 0 : index
        %get3A_99 = arith.constant 0 : index
        %get3A_100 = arith.constant 256 : index
        %get3A_101 = vector.load %arg3[%get3A_98, %get3A_99, %get3A_100] : memref<1x96x512xbf16, #tpu.memory_space<vmem>>, vector<1x96x128xbf16>
        %get3A_102 = vector.shape_cast %get3A_101 : vector<1x96x128xbf16> to vector<96x128xbf16>
        %get3A_103 = arith.constant 0 : index
        %get3A_104 = arith.constant 256 : index
        %get3A_105 = arith.constant 0 : index
        %get3A_106 = vector.load %arg4[%get3A_103, %get3A_104, %get3A_105] : memref<1x512x128xf32, #tpu.memory_space<vmem>>, vector<1x128x128xf32>
        %get3A_107 = vector.shape_cast %get3A_106 : vector<1x128x128xf32> to vector<128x128xf32>
        %slice3A_108 = vector.extract_strided_slice %get3A_107 {offsets = [0, 0], sizes = [128, 96], strides = [1, 1]} : vector<128x128xf32> to vector<128x96xf32>
        %broadcast_in_dim3A_109 = vector.shape_cast %convert_element_type3A : vector<64x96xbf16> to vector<64x96x1xbf16>
        %broadcast_in_dim3A_110 = vector.shape_cast %get3A_102 : vector<96x128xbf16> to vector<1x96x128xbf16>
        %sub3A_111 = vector.broadcast %broadcast_in_dim3A_109 : vector<64x96x1xbf16> to vector<64x96x128xbf16>
        %sub3A_112 = vector.broadcast %broadcast_in_dim3A_110 : vector<1x96x128xbf16> to vector<64x96x128xbf16>
        %sub3A_113 = arith.subf %sub3A_111, %sub3A_112 : vector<64x96x128xbf16>
        %max3A_114 = arith.constant 0.000000e+00 : bf16
        %max3A_115 = vector.broadcast %max3A_114 : bf16 to vector<64x96x128xbf16>
        %max3A_116 = arith.maximumf %sub3A_113, %max3A_115 : vector<64x96x128xbf16>
        %convert_element_type3A_117 = arith.extf %max3A_116 : vector<64x96x128xbf16> to vector<64x96x128xf32>
        %reduce_sum3A_118 = arith.constant dense<0.000000e+00> : vector<64x128xf32>
        %reduce_sum3A_119 = vector.multi_reduction <add>, %convert_element_type3A_117, %reduce_sum3A_118 [1] : vector<64x96x128xf32> to vector<64x128xf32>
        %mul3A_120 = arith.constant 0.010416667 : f32
        %mul3A_121 = vector.broadcast %mul3A_120 : f32 to vector<64x128xf32>
        %mul3A_122 = arith.mulf %reduce_sum3A_119, %mul3A_121 : vector<64x128xf32>
        %sub3A_123 = arith.constant 1.000000e+00 : f32
        %sub3A_124 = vector.broadcast %sub3A_123 : f32 to vector<64x128xf32>
        %sub3A_125 = arith.subf %sub3A_124, %mul3A_122 : vector<64x128xf32>
        %iota3A = tpu.iota {dimensions = array<i32: 1>} : vector<64x128xi32>
        %add3A_126 = arith.constant 256 : i32
        %add3A_127 = vector.broadcast %add3A_126 : i32 to vector<64x128xi32>
        %add3A_128 = arith.addi %add3A_127, %iota3A : vector<64x128xi32>
        %lt3A = vector.broadcast %get3A_0 : i32 to vector<64x128xi32>
        %lt3A_129 = arith.cmpi slt, %add3A_128, %lt3A : vector<64x128xi32>
        %jit3A_130 = arith.constant 0.000000e+00 : f32
        %broadcast_in_dim3A_131 = vector.broadcast %jit3A_130 : f32 to vector<64x128xf32>
        %select_n3A_132 = arith.select %lt3A_129, %sub3A_125, %broadcast_in_dim3A_131 : vector<64x128xi1>, vector<64x128xf32>
        %dot_general3A = arith.constant dense<0.000000e+00> : vector<64x96xf32>
        %dot_general3A_133 = tpu.matmul %select_n3A_132, %slice3A_108, %dot_general3A {dimension_numbers = #tpu.dot_dimension_numbers<[1], [0], [0], [1], [0, 0, 1, 1], [], []>, transpose_lhs_hint = false} : vector<64x128xf32>, vector<128x96xf32>, vector<64x96xf32> -> vector<64x96xf32>
        %add3A_134 = arith.addf %cond3A_55#0, %dot_general3A_133 : vector<64x96xf32>
        %reduce_sum3A_135 = arith.constant dense<0.000000e+00> : vector<64xf32>
        %reduce_sum3A_136 = vector.multi_reduction <add>, %select_n3A_132, %reduce_sum3A_135 [1] : vector<64x128xf32> to vector<64xf32>
        %broadcast_in_dim3A_137 = vector.shape_cast %reduce_sum3A_136 : vector<64xf32> to vector<64x1xf32>
        %add3A_138 = arith.addf %cond3A_55#1, %broadcast_in_dim3A_137 : vector<64x1xf32>
        scf.yield %add3A_134, %add3A_138 : vector<64x96xf32>, vector<64x1xf32>
      } else {
        scf.yield %cond3A_55#0, %cond3A_55#1 : vector<64x96xf32>, vector<64x1xf32>
      }
      %gt3A_62 = arith.constant 384 : i32
      %gt3A_63 = arith.cmpi sgt, %get3A_0, %gt3A_62 : i32
      %convert_element_type3A_64 = arith.extui %gt3A_63 : i1 to i32
      %cond3A_65 = arith.constant 0 : i32
      %cond3A_66 = arith.cmpi ne, %convert_element_type3A_64, %cond3A_65 : i32
      %cond3A_67:2 = scf.if %cond3A_66 -> (vector<64x96xf32>, vector<64x1xf32>) {
        %get3A_98 = arith.constant 0 : index
        %get3A_99 = arith.constant 0 : index
        %get3A_100 = arith.constant 384 : index
        %get3A_101 = vector.load %arg3[%get3A_98, %get3A_99, %get3A_100] : memref<1x96x512xbf16, #tpu.memory_space<vmem>>, vector<1x96x128xbf16>
        %get3A_102 = vector.shape_cast %get3A_101 : vector<1x96x128xbf16> to vector<96x128xbf16>
        %get3A_103 = arith.constant 0 : index
        %get3A_104 = arith.constant 384 : index
        %get3A_105 = arith.constant 0 : index
        %get3A_106 = vector.load %arg4[%get3A_103, %get3A_104, %get3A_105] : memref<1x512x128xf32, #tpu.memory_space<vmem>>, vector<1x128x128xf32>
        %get3A_107 = vector.shape_cast %get3A_106 : vector<1x128x128xf32> to vector<128x128xf32>
        %slice3A_108 = vector.extract_strided_slice %get3A_107 {offsets = [0, 0], sizes = [128, 96], strides = [1, 1]} : vector<128x128xf32> to vector<128x96xf32>
        %broadcast_in_dim3A_109 = vector.shape_cast %convert_element_type3A : vector<64x96xbf16> to vector<64x96x1xbf16>
        %broadcast_in_dim3A_110 = vector.shape_cast %get3A_102 : vector<96x128xbf16> to vector<1x96x128xbf16>
        %sub3A_111 = vector.broadcast %broadcast_in_dim3A_109 : vector<64x96x1xbf16> to vector<64x96x128xbf16>
        %sub3A_112 = vector.broadcast %broadcast_in_dim3A_110 : vector<1x96x128xbf16> to vector<64x96x128xbf16>
        %sub3A_113 = arith.subf %sub3A_111, %sub3A_112 : vector<64x96x128xbf16>
        %max3A_114 = arith.constant 0.000000e+00 : bf16
        %max3A_115 = vector.broadcast %max3A_114 : bf16 to vector<64x96x128xbf16>
        %max3A_116 = arith.maximumf %sub3A_113, %max3A_115 : vector<64x96x128xbf16>
        %convert_element_type3A_117 = arith.extf %max3A_116 : vector<64x96x128xbf16> to vector<64x96x128xf32>
        %reduce_sum3A_118 = arith.constant dense<0.000000e+00> : vector<64x128xf32>
        %reduce_sum3A_119 = vector.multi_reduction <add>, %convert_element_type3A_117, %reduce_sum3A_118 [1] : vector<64x96x128xf32> to vector<64x128xf32>
        %mul3A_120 = arith.constant 0.010416667 : f32
        %mul3A_121 = vector.broadcast %mul3A_120 : f32 to vector<64x128xf32>
        %mul3A_122 = arith.mulf %reduce_sum3A_119, %mul3A_121 : vector<64x128xf32>
        %sub3A_123 = arith.constant 1.000000e+00 : f32
        %sub3A_124 = vector.broadcast %sub3A_123 : f32 to vector<64x128xf32>
        %sub3A_125 = arith.subf %sub3A_124, %mul3A_122 : vector<64x128xf32>
        %iota3A = tpu.iota {dimensions = array<i32: 1>} : vector<64x128xi32>
        %add3A_126 = arith.constant 384 : i32
        %add3A_127 = vector.broadcast %add3A_126 : i32 to vector<64x128xi32>
        %add3A_128 = arith.addi %add3A_127, %iota3A : vector<64x128xi32>
        %lt3A = vector.broadcast %get3A_0 : i32 to vector<64x128xi32>
        %lt3A_129 = arith.cmpi slt, %add3A_128, %lt3A : vector<64x128xi32>
        %jit3A_130 = arith.constant 0.000000e+00 : f32
        %broadcast_in_dim3A_131 = vector.broadcast %jit3A_130 : f32 to vector<64x128xf32>
        %select_n3A_132 = arith.select %lt3A_129, %sub3A_125, %broadcast_in_dim3A_131 : vector<64x128xi1>, vector<64x128xf32>
        %dot_general3A = arith.constant dense<0.000000e+00> : vector<64x96xf32>
        %dot_general3A_133 = tpu.matmul %select_n3A_132, %slice3A_108, %dot_general3A {dimension_numbers = #tpu.dot_dimension_numbers<[1], [0], [0], [1], [0, 0, 1, 1], [], []>, transpose_lhs_hint = false} : vector<64x128xf32>, vector<128x96xf32>, vector<64x96xf32> -> vector<64x96xf32>
        %add3A_134 = arith.addf %cond3A_61#0, %dot_general3A_133 : vector<64x96xf32>
        %reduce_sum3A_135 = arith.constant dense<0.000000e+00> : vector<64xf32>
        %reduce_sum3A_136 = vector.multi_reduction <add>, %select_n3A_132, %reduce_sum3A_135 [1] : vector<64x128xf32> to vector<64xf32>
        %broadcast_in_dim3A_137 = vector.shape_cast %reduce_sum3A_136 : vector<64xf32> to vector<64x1xf32>
        %add3A_138 = arith.addf %cond3A_61#1, %broadcast_in_dim3A_137 : vector<64x1xf32>
        scf.yield %add3A_134, %add3A_138 : vector<64x96xf32>, vector<64x1xf32>
      } else {
        scf.yield %cond3A_61#0, %cond3A_61#1 : vector<64x96xf32>, vector<64x1xf32>
      }
      %sub3A_68 = arith.constant 5.000000e-01 : f32
      %sub3A_69 = vector.broadcast %sub3A_68 : f32 to vector<64x96xf32>
      %sub3A_70 = arith.subf %slice3A, %sub3A_69 : vector<64x96xf32>
      %max3A = arith.constant 0.000000e+00 : f32
      %max3A_71 = vector.broadcast %max3A : f32 to vector<64x96xf32>
      %max3A_72 = arith.maximumf %sub3A_70, %max3A_71 : vector<64x96xf32>
      %reduce_sum3A = arith.constant dense<0.000000e+00> : vector<64xf32>
      %reduce_sum3A_73 = vector.multi_reduction <add>, %max3A_72, %reduce_sum3A [1] : vector<64x96xf32> to vector<64xf32>
      %broadcast_in_dim3A_74 = vector.shape_cast %reduce_sum3A_73 : vector<64xf32> to vector<64x1xf32>
      %mul3A_75 = arith.constant 0.010416667 : f32
      %mul3A_76 = vector.broadcast %mul3A_75 : f32 to vector<64x1xf32>
      %mul3A_77 = arith.mulf %broadcast_in_dim3A_74, %mul3A_76 : vector<64x1xf32>
      %sub3A_78 = arith.constant 1.000000e+00 : f32
      %sub3A_79 = vector.broadcast %sub3A_78 : f32 to vector<64x1xf32>
      %sub3A_80 = arith.subf %sub3A_79, %mul3A_77 : vector<64x1xf32>
      %convert_element_type3A_81 = arith.sitofp %get3A_0 : i32 to f32
      %sub3A_82 = arith.constant 5.120000e+02 : f32
      %sub3A_83 = arith.subf %sub3A_82, %convert_element_type3A_81 : f32
      %mul3A_84 = vector.broadcast %sub3A_83 : f32 to vector<64x1xf32>
      %mul3A_85 = arith.mulf %mul3A_84, %sub3A_80 : vector<64x1xf32>
      %add3A_86 = arith.addf %cond3A_67#1, %mul3A_85 : vector<64x1xf32>
      %add3A_87 = arith.constant 9.99999971E-10 : f32
      %add3A_88 = vector.broadcast %add3A_87 : f32 to vector<64x1xf32>
      %add3A_89 = arith.addf %add3A_86, %add3A_88 : vector<64x1xf32>
      %div3A_90 = vector.broadcast %add3A_89 : vector<64x1xf32> to vector<64x96xf32>
      %div3A_91 = arith.divf %cond3A_67#0, %div3A_90 : vector<64x96xf32>
      %swap3A_92 = arith.constant 0 : index
      %swap3A_93 = arith.index_cast %mul3A_36 : i32 to index
      %swap3A_94 = arith.constant 0 : index
      %swap3A_95 = vector.load %arg5[%swap3A_92, %swap3A_93, %swap3A_94] : memref<1x512x96xf32, #tpu.memory_space<vmem>>, vector<1x64x96xf32>
      %swap3A_96 = vector.shape_cast %swap3A_95 : vector<1x64x96xf32> to vector<64x96xf32>
      %swap3A_97 = vector.shape_cast %div3A_91 : vector<64x96xf32> to vector<1x64x96xf32>
      tpu.vector_store %arg5[%swap3A_92, %swap3A_93, %swap3A_94], %swap3A_97 {strides = array<i32>} : memref<1x512x96xf32, #tpu.memory_space<vmem>>, vector<1x64x96xf32>,
    }
    %while3A_34 = arith.constant 1 : i32
    scf.for %while3A_35 = %while3A_32 to %while3A_28 step %while3A_34  : i32 {
      %mul3A = arith.constant 64 : i32
      %mul3A_36 = arith.muli %while3A_35, %mul3A : i32
      %get3A_37 = arith.constant 0 : index
      %get3A_38 = arith.index_cast %mul3A_36 : i32 to index
      %get3A_39 = arith.constant 0 : index
      %get3A_40 = vector.load %arg2[%get3A_37, %get3A_38, %get3A_39] : memref<1x512x128xf32, #tpu.memory_space<vmem>>, vector<1x64x128xf32>
      %get3A_41 = vector.shape_cast %get3A_40 : vector<1x64x128xf32> to vector<64x128xf32>
      %slice3A = vector.extract_strided_slice %get3A_41 {offsets = [0, 0], sizes = [64, 96], strides = [1, 1]} : vector<64x128xf32> to vector<64x96xf32>
      %convert_element_type3A = arith.truncf %slice3A : vector<64x96xf32> to vector<64x96xbf16>
      %broadcast_in_dim3A_42 = arith.constant 0.000000e+00 : f32
      %broadcast_in_dim3A_43 = vector.broadcast %broadcast_in_dim3A_42 : f32 to vector<64x96xf32>
      %broadcast_in_dim3A_44 = arith.constant 0.000000e+00 : f32
      %broadcast_in_dim3A_45 = vector.broadcast %broadcast_in_dim3A_44 : f32 to vector<64x1xf32>
      %gt3A = arith.constant 0 : i32
      %gt3A_46 = arith.cmpi sgt, %get3A_0, %gt3A : i32
      %convert_element_type3A_47 = arith.extui %gt3A_46 : i1 to i32
      %cond3A = arith.constant 0 : i32
      %cond3A_48 = arith.cmpi ne, %convert_element_type3A_47, %cond3A : i32
      %cond3A_49:2 = scf.if %cond3A_48 -> (vector<64x96xf32>, vector<64x1xf32>) {
        %get3A_98 = arith.constant 0 : index
        %get3A_99 = arith.constant 0 : index
        %get3A_100 = arith.constant 0 : index
        %get3A_101 = vector.load %arg3[%get3A_98, %get3A_99, %get3A_100] : memref<1x96x512xbf16, #tpu.memory_space<vmem>>, vector<1x96x128xbf16>
        %get3A_102 = vector.shape_cast %get3A_101 : vector<1x96x128xbf16> to vector<96x128xbf16>
        %get3A_103 = arith.constant 0 : index
        %get3A_104 = arith.constant 0 : index
        %get3A_105 = arith.constant 0 : index
        %get3A_106 = vector.load %arg4[%get3A_103, %get3A_104, %get3A_105] : memref<1x512x128xf32, #tpu.memory_space<vmem>>, vector<1x128x128xf32>
        %get3A_107 = vector.shape_cast %get3A_106 : vector<1x128x128xf32> to vector<128x128xf32>
        %slice3A_108 = vector.extract_strided_slice %get3A_107 {offsets = [0, 0], sizes = [128, 96], strides = [1, 1]} : vector<128x128xf32> to vector<128x96xf32>
        %broadcast_in_dim3A_109 = vector.shape_cast %convert_element_type3A : vector<64x96xbf16> to vector<64x96x1xbf16>
        %broadcast_in_dim3A_110 = vector.shape_cast %get3A_102 : vector<96x128xbf16> to vector<1x96x128xbf16>
        %sub3A_111 = vector.broadcast %broadcast_in_dim3A_109 : vector<64x96x1xbf16> to vector<64x96x128xbf16>
        %sub3A_112 = vector.broadcast %broadcast_in_dim3A_110 : vector<1x96x128xbf16> to vector<64x96x128xbf16>
        %sub3A_113 = arith.subf %sub3A_111, %sub3A_112 : vector<64x96x128xbf16>
        %max3A_114 = arith.constant 0.000000e+00 : bf16
        %max3A_115 = vector.broadcast %max3A_114 : bf16 to vector<64x96x128xbf16>
        %max3A_116 = arith.maximumf %sub3A_113, %max3A_115 : vector<64x96x128xbf16>
        %convert_element_type3A_117 = arith.extf %max3A_116 : vector<64x96x128xbf16> to vector<64x96x128xf32>
        %reduce_sum3A_118 = arith.constant dense<0.000000e+00> : vector<64x128xf32>
        %reduce_sum3A_119 = vector.multi_reduction <add>, %convert_element_type3A_117, %reduce_sum3A_118 [1] : vector<64x96x128xf32> to vector<64x128xf32>
        %mul3A_120 = arith.constant 0.010416667 : f32
        %mul3A_121 = vector.broadcast %mul3A_120 : f32 to vector<64x128xf32>
        %mul3A_122 = arith.mulf %reduce_sum3A_119, %mul3A_121 : vector<64x128xf32>
        %sub3A_123 = arith.constant 1.000000e+00 : f32
        %sub3A_124 = vector.broadcast %sub3A_123 : f32 to vector<64x128xf32>
        %sub3A_125 = arith.subf %sub3A_124, %mul3A_122 : vector<64x128xf32>
        %iota3A = tpu.iota {dimensions = array<i32: 1>} : vector<64x128xi32>
        %add3A_126 = arith.constant 0 : i32
        %add3A_127 = vector.broadcast %add3A_126 : i32 to vector<64x128xi32>
        %add3A_128 = arith.addi %add3A_127, %iota3A : vector<64x128xi32>
        %lt3A = vector.broadcast %get3A_0 : i32 to vector<64x128xi32>
        %lt3A_129 = arith.cmpi slt, %add3A_128, %lt3A : vector<64x128xi32>
        %jit3A_130 = arith.constant 0.000000e+00 : f32
        %broadcast_in_dim3A_131 = vector.broadcast %jit3A_130 : f32 to vector<64x128xf32>
        %select_n3A_132 = arith.select %lt3A_129, %sub3A_125, %broadcast_in_dim3A_131 : vector<64x128xi1>, vector<64x128xf32>
        %dot_general3A = arith.constant dense<0.000000e+00> : vector<64x96xf32>
        %dot_general3A_133 = tpu.matmul %select_n3A_132, %slice3A_108, %dot_general3A {dimension_numbers = #tpu.dot_dimension_numbers<[1], [0], [0], [1], [0, 0, 1, 1], [], []>, transpose_lhs_hint = false} : vector<64x128xf32>, vector<128x96xf32>, vector<64x96xf32> -> vector<64x96xf32>
        %add3A_134 = arith.addf %broadcast_in_dim3A_43, %dot_general3A_133 : vector<64x96xf32>
        %reduce_sum3A_135 = arith.constant dense<0.000000e+00> : vector<64xf32>
        %reduce_sum3A_136 = vector.multi_reduction <add>, %select_n3A_132, %reduce_sum3A_135 [1] : vector<64x128xf32> to vector<64xf32>
        %broadcast_in_dim3A_137 = vector.shape_cast %reduce_sum3A_136 : vector<64xf32> to vector<64x1xf32>
        %add3A_138 = arith.addf %broadcast_in_dim3A_45, %broadcast_in_dim3A_137 : vector<64x1xf32>
        scf.yield %add3A_134, %add3A_138 : vector<64x96xf32>, vector<64x1xf32>
      } else {
        scf.yield %broadcast_in_dim3A_43, %broadcast_in_dim3A_45 : vector<64x96xf32>, vector<64x1xf32>
      }
      %gt3A_50 = arith.constant 128 : i32
      %gt3A_51 = arith.cmpi sgt, %get3A_0, %gt3A_50 : i32
      %convert_element_type3A_52 = arith.extui %gt3A_51 : i1 to i32
      %cond3A_53 = arith.constant 0 : i32
      %cond3A_54 = arith.cmpi ne, %convert_element_type3A_52, %cond3A_53 : i32
      %cond3A_55:2 = scf.if %cond3A_54 -> (vector<64x96xf32>, vector<64x1xf32>) {
        %get3A_98 = arith.constant 0 : index
        %get3A_99 = arith.constant 0 : index
        %get3A_100 = arith.constant 128 : index
        %get3A_101 = vector.load %arg3[%get3A_98, %get3A_99, %get3A_100] : memref<1x96x512xbf16, #tpu.memory_space<vmem>>, vector<1x96x128xbf16>
        %get3A_102 = vector.shape_cast %get3A_101 : vector<1x96x128xbf16> to vector<96x128xbf16>
        %get3A_103 = arith.constant 0 : index
        %get3A_104 = arith.constant 128 : index
        %get3A_105 = arith.constant 0 : index
        %get3A_106 = vector.load %arg4[%get3A_103, %get3A_104, %get3A_105] : memref<1x512x128xf32, #tpu.memory_space<vmem>>, vector<1x128x128xf32>
        %get3A_107 = vector.shape_cast %get3A_106 : vector<1x128x128xf32> to vector<128x128xf32>
        %slice3A_108 = vector.extract_strided_slice %get3A_107 {offsets = [0, 0], sizes = [128, 96], strides = [1, 1]} : vector<128x128xf32> to vector<128x96xf32>
        %broadcast_in_dim3A_109 = vector.shape_cast %convert_element_type3A : vector<64x96xbf16> to vector<64x96x1xbf16>
        %broadcast_in_dim3A_110 = vector.shape_cast %get3A_102 : vector<96x128xbf16> to vector<1x96x128xbf16>
        %sub3A_111 = vector.broadcast %broadcast_in_dim3A_109 : vector<64x96x1xbf16> to vector<64x96x128xbf16>
        %sub3A_112 = vector.broadcast %broadcast_in_dim3A_110 : vector<1x96x128xbf16> to vector<64x96x128xbf16>
        %sub3A_113 = arith.subf %sub3A_111, %sub3A_112 : vector<64x96x128xbf16>
        %max3A_114 = arith.constant 0.000000e+00 : bf16
        %max3A_115 = vector.broadcast %max3A_114 : bf16 to vector<64x96x128xbf16>
        %max3A_116 = arith.maximumf %sub3A_113, %max3A_115 : vector<64x96x128xbf16>
        %convert_element_type3A_117 = arith.extf %max3A_116 : vector<64x96x128xbf16> to vector<64x96x128xf32>
        %reduce_sum3A_118 = arith.constant dense<0.000000e+00> : vector<64x128xf32>
        %reduce_sum3A_119 = vector.multi_reduction <add>, %convert_element_type3A_117, %reduce_sum3A_118 [1] : vector<64x96x128xf32> to vector<64x128xf32>
        %mul3A_120 = arith.constant 0.010416667 : f32
        %mul3A_121 = vector.broadcast %mul3A_120 : f32 to vector<64x128xf32>
        %mul3A_122 = arith.mulf %reduce_sum3A_119, %mul3A_121 : vector<64x128xf32>
        %sub3A_123 = arith.constant 1.000000e+00 : f32
        %sub3A_124 = vector.broadcast %sub3A_123 : f32 to vector<64x128xf32>
        %sub3A_125 = arith.subf %sub3A_124, %mul3A_122 : vector<64x128xf32>
        %iota3A = tpu.iota {dimensions = array<i32: 1>} : vector<64x128xi32>
        %add3A_126 = arith.constant 128 : i32
        %add3A_127 = vector.broadcast %add3A_126 : i32 to vector<64x128xi32>
        %add3A_128 = arith.addi %add3A_127, %iota3A : vector<64x128xi32>
        %lt3A = vector.broadcast %get3A_0 : i32 to vector<64x128xi32>
        %lt3A_129 = arith.cmpi slt, %add3A_128, %lt3A : vector<64x128xi32>
        %jit3A_130 = arith.constant 0.000000e+00 : f32
        %broadcast_in_dim3A_131 = vector.broadcast %jit3A_130 : f32 to vector<64x128xf32>
        %select_n3A_132 = arith.select %lt3A_129, %sub3A_125, %broadcast_in_dim3A_131 : vector<64x128xi1>, vector<64x128xf32>
        %dot_general3A = arith.constant dense<0.000000e+00> : vector<64x96xf32>
        %dot_general3A_133 = tpu.matmul %select_n3A_132, %slice3A_108, %dot_general3A {dimension_numbers = #tpu.dot_dimension_numbers<[1], [0], [0], [1], [0, 0, 1, 1], [], []>, transpose_lhs_hint = false} : vector<64x128xf32>, vector<128x96xf32>, vector<64x96xf32> -> vector<64x96xf32>
        %add3A_134 = arith.addf %cond3A_49#0, %dot_general3A_133 : vector<64x96xf32>
        %reduce_sum3A_135 = arith.constant dense<0.000000e+00> : vector<64xf32>
        %reduce_sum3A_136 = vector.multi_reduction <add>, %select_n3A_132, %reduce_sum3A_135 [1] : vector<64x128xf32> to vector<64xf32>
        %broadcast_in_dim3A_137 = vector.shape_cast %reduce_sum3A_136 : vector<64xf32> to vector<64x1xf32>
        %add3A_138 = arith.addf %cond3A_49#1, %broadcast_in_dim3A_137 : vector<64x1xf32>
        scf.yield %add3A_134, %add3A_138 : vector<64x96xf32>, vector<64x1xf32>
      } else {
        scf.yield %cond3A_49#0, %cond3A_49#1 : vector<64x96xf32>, vector<64x1xf32>
      }
      %gt3A_56 = arith.constant 256 : i32
      %gt3A_57 = arith.cmpi sgt, %get3A_0, %gt3A_56 : i32
      %convert_element_type3A_58 = arith.extui %gt3A_57 : i1 to i32
      %cond3A_59 = arith.constant 0 : i32
      %cond3A_60 = arith.cmpi ne, %convert_element_type3A_58, %cond3A_59 : i32
      %cond3A_61:2 = scf.if %cond3A_60 -> (vector<64x96xf32>, vector<64x1xf32>) {
        %get3A_98 = arith.constant 0 : index
        %get3A_99 = arith.constant 0 : index
        %get3A_100 = arith.constant 256 : index
        %get3A_101 = vector.load %arg3[%get3A_98, %get3A_99, %get3A_100] : memref<1x96x512xbf16, #tpu.memory_space<vmem>>, vector<1x96x128xbf16>
        %get3A_102 = vector.shape_cast %get3A_101 : vector<1x96x128xbf16> to vector<96x128xbf16>
        %get3A_103 = arith.constant 0 : index
        %get3A_104 = arith.constant 256 : index
        %get3A_105 = arith.constant 0 : index
        %get3A_106 = vector.load %arg4[%get3A_103, %get3A_104, %get3A_105] : memref<1x512x128xf32, #tpu.memory_space<vmem>>, vector<1x128x128xf32>
        %get3A_107 = vector.shape_cast %get3A_106 : vector<1x128x128xf32> to vector<128x128xf32>
        %slice3A_108 = vector.extract_strided_slice %get3A_107 {offsets = [0, 0], sizes = [128, 96], strides = [1, 1]} : vector<128x128xf32> to vector<128x96xf32>
        %broadcast_in_dim3A_109 = vector.shape_cast %convert_element_type3A : vector<64x96xbf16> to vector<64x96x1xbf16>
        %broadcast_in_dim3A_110 = vector.shape_cast %get3A_102 : vector<96x128xbf16> to vector<1x96x128xbf16>
        %sub3A_111 = vector.broadcast %broadcast_in_dim3A_109 : vector<64x96x1xbf16> to vector<64x96x128xbf16>
        %sub3A_112 = vector.broadcast %broadcast_in_dim3A_110 : vector<1x96x128xbf16> to vector<64x96x128xbf16>
        %sub3A_113 = arith.subf %sub3A_111, %sub3A_112 : vector<64x96x128xbf16>
        %max3A_114 = arith.constant 0.000000e+00 : bf16
        %max3A_115 = vector.broadcast %max3A_114 : bf16 to vector<64x96x128xbf16>
        %max3A_116 = arith.maximumf %sub3A_113, %max3A_115 : vector<64x96x128xbf16>
        %convert_element_type3A_117 = arith.extf %max3A_116 : vector<64x96x128xbf16> to vector<64x96x128xf32>
        %reduce_sum3A_118 = arith.constant dense<0.000000e+00> : vector<64x128xf32>
        %reduce_sum3A_119 = vector.multi_reduction <add>, %convert_element_type3A_117, %reduce_sum3A_118 [1] : vector<64x96x128xf32> to vector<64x128xf32>
        %mul3A_120 = arith.constant 0.010416667 : f32
        %mul3A_121 = vector.broadcast %mul3A_120 : f32 to vector<64x128xf32>
        %mul3A_122 = arith.mulf %reduce_sum3A_119, %mul3A_121 : vector<64x128xf32>
        %sub3A_123 = arith.constant 1.000000e+00 : f32
        %sub3A_124 = vector.broadcast %sub3A_123 : f32 to vector<64x128xf32>
        %sub3A_125 = arith.subf %sub3A_124, %mul3A_122 : vector<64x128xf32>
        %iota3A = tpu.iota {dimensions = array<i32: 1>} : vector<64x128xi32>
        %add3A_126 = arith.constant 256 : i32
        %add3A_127 = vector.broadcast %add3A_126 : i32 to vector<64x128xi32>
        %add3A_128 = arith.addi %add3A_127, %iota3A : vector<64x128xi32>
        %lt3A = vector.broadcast %get3A_0 : i32 to vector<64x128xi32>
        %lt3A_129 = arith.cmpi slt, %add3A_128, %lt3A : vector<64x128xi32>
        %jit3A_130 = arith.constant 0.000000e+00 : f32
        %broadcast_in_dim3A_131 = vector.broadcast %jit3A_130 : f32 to vector<64x128xf32>
        %select_n3A_132 = arith.select %lt3A_129, %sub3A_125, %broadcast_in_dim3A_131 : vector<64x128xi1>, vector<64x128xf32>
        %dot_general3A = arith.constant dense<0.000000e+00> : vector<64x96xf32>
        %dot_general3A_133 = tpu.matmul %select_n3A_132, %slice3A_108, %dot_general3A {dimension_numbers = #tpu.dot_dimension_numbers<[1], [0], [0], [1], [0, 0, 1, 1], [], []>, transpose_lhs_hint = false} : vector<64x128xf32>, vector<128x96xf32>, vector<64x96xf32> -> vector<64x96xf32>
        %add3A_134 = arith.addf %cond3A_55#0, %dot_general3A_133 : vector<64x96xf32>
        %reduce_sum3A_135 = arith.constant dense<0.000000e+00> : vector<64xf32>
        %reduce_sum3A_136 = vector.multi_reduction <add>, %select_n3A_132, %reduce_sum3A_135 [1] : vector<64x128xf32> to vector<64xf32>
        %broadcast_in_dim3A_137 = vector.shape_cast %reduce_sum3A_136 : vector<64xf32> to vector<64x1xf32>
        %add3A_138 = arith.addf %cond3A_55#1, %broadcast_in_dim3A_137 : vector<64x1xf32>
        scf.yield %add3A_134, %add3A_138 : vector<64x96xf32>, vector<64x1xf32>
      } else {
        scf.yield %cond3A_55#0, %cond3A_55#1 : vector<64x96xf32>, vector<64x1xf32>
      }
      %gt3A_62 = arith.constant 384 : i32
      %gt3A_63 = arith.cmpi sgt, %get3A_0, %gt3A_62 : i32
      %convert_element_type3A_64 = arith.extui %gt3A_63 : i1 to i32
      %cond3A_65 = arith.constant 0 : i32
      %cond3A_66 = arith.cmpi ne, %convert_element_type3A_64, %cond3A_65 : i32
      %cond3A_67:2 = scf.if %cond3A_66 -> (vector<64x96xf32>, vector<64x1xf32>) {
        %get3A_98 = arith.constant 0 : index
        %get3A_99 = arith.constant 0 : index
        %get3A_100 = arith.constant 384 : index
        %get3A_101 = vector.load %arg3[%get3A_98, %get3A_99, %get3A_100] : memref<1x96x512xbf16, #tpu.memory_space<vmem>>, vector<1x96x128xbf16>
        %get3A_102 = vector.shape_cast %get3A_101 : vector<1x96x128xbf16> to vector<96x128xbf16>
        %get3A_103 = arith.constant 0 : index
        %get3A_104 = arith.constant 384 : index
        %get3A_105 = arith.constant 0 : index
        %get3A_106 = vector.load %arg4[%get3A_103, %get3A_104, %get3A_105] : memref<1x512x128xf32, #tpu.memory_space<vmem>>, vector<1x128x128xf32>
        %get3A_107 = vector.shape_cast %get3A_106 : vector<1x128x128xf32> to vector<128x128xf32>
        %slice3A_108 = vector.extract_strided_slice %get3A_107 {offsets = [0, 0], sizes = [128, 96], strides = [1, 1]} : vector<128x128xf32> to vector<128x96xf32>
        %broadcast_in_dim3A_109 = vector.shape_cast %convert_element_type3A : vector<64x96xbf16> to vector<64x96x1xbf16>
        %broadcast_in_dim3A_110 = vector.shape_cast %get3A_102 : vector<96x128xbf16> to vector<1x96x128xbf16>
        %sub3A_111 = vector.broadcast %broadcast_in_dim3A_109 : vector<64x96x1xbf16> to vector<64x96x128xbf16>
        %sub3A_112 = vector.broadcast %broadcast_in_dim3A_110 : vector<1x96x128xbf16> to vector<64x96x128xbf16>
        %sub3A_113 = arith.subf %sub3A_111, %sub3A_112 : vector<64x96x128xbf16>
        %max3A_114 = arith.constant 0.000000e+00 : bf16
        %max3A_115 = vector.broadcast %max3A_114 : bf16 to vector<64x96x128xbf16>
        %max3A_116 = arith.maximumf %sub3A_113, %max3A_115 : vector<64x96x128xbf16>
        %convert_element_type3A_117 = arith.extf %max3A_116 : vector<64x96x128xbf16> to vector<64x96x128xf32>
        %reduce_sum3A_118 = arith.constant dense<0.000000e+00> : vector<64x128xf32>
        %reduce_sum3A_119 = vector.multi_reduction <add>, %convert_element_type3A_117, %reduce_sum3A_118 [1] : vector<64x96x128xf32> to vector<64x128xf32>
        %mul3A_120 = arith.constant 0.010416667 : f32
        %mul3A_121 = vector.broadcast %mul3A_120 : f32 to vector<64x128xf32>
        %mul3A_122 = arith.mulf %reduce_sum3A_119, %mul3A_121 : vector<64x128xf32>
        %sub3A_123 = arith.constant 1.000000e+00 : f32
        %sub3A_124 = vector.broadcast %sub3A_123 : f32 to vector<64x128xf32>
        %sub3A_125 = arith.subf %sub3A_124, %mul3A_122 : vector<64x128xf32>
        %iota3A = tpu.iota {dimensions = array<i32: 1>} : vector<64x128xi32>
        %add3A_126 = arith.constant 384 : i32
        %add3A_127 = vector.broadcast %add3A_126 : i32 to vector<64x128xi32>
        %add3A_128 = arith.addi %add3A_127, %iota3A : vector<64x128xi32>
        %lt3A = vector.broadcast %get3A_0 : i32 to vector<64x128xi32>
        %lt3A_129 = arith.cmpi slt, %add3A_128, %lt3A : vector<64x128xi32>
        %jit3A_130 = arith.constant 0.000000e+00 : f32
        %broadcast_in_dim3A_131 = vector.broadcast %jit3A_130 : f32 to vector<64x128xf32>
        %select_n3A_132 = arith.select %lt3A_129, %sub3A_125, %broadcast_in_dim3A_131 : vector<64x128xi1>, vector<64x128xf32>
        %dot_general3A = arith.constant dense<0.000000e+00> : vector<64x96xf32>
        %dot_general3A_133 = tpu.matmul %select_n3A_132, %slice3A_108, %dot_general3A {dimension_numbers = #tpu.dot_dimension_numbers<[1], [0], [0], [1], [0, 0, 1, 1], [], []>, transpose_lhs_hint = false} : vector<64x128xf32>, vector<128x96xf32>, vector<64x96xf32> -> vector<64x96xf32>
        %add3A_134 = arith.addf %cond3A_61#0, %dot_general3A_133 : vector<64x96xf32>
        %reduce_sum3A_135 = arith.constant dense<0.000000e+00> : vector<64xf32>
        %reduce_sum3A_136 = vector.multi_reduction <add>, %select_n3A_132, %reduce_sum3A_135 [1] : vector<64x128xf32> to vector<64xf32>
        %broadcast_in_dim3A_137 = vector.shape_cast %reduce_sum3A_136 : vector<64xf32> to vector<64x1xf32>
        %add3A_138 = arith.addf %cond3A_61#1, %broadcast_in_dim3A_137 : vector<64x1xf32>
        scf.yield %add3A_134, %add3A_138 : vector<64x96xf32>, vector<64x1xf32>
      } else {
        scf.yield %cond3A_61#0, %cond3A_61#1 : vector<64x96xf32>, vector<64x1xf32>
      }
      %sub3A_68 = arith.constant 5.000000e-01 : f32
      %sub3A_69 = vector.broadcast %sub3A_68 : f32 to vector<64x96xf32>
      %sub3A_70 = arith.subf %slice3A, %sub3A_69 : vector<64x96xf32>
      %max3A = arith.constant 0.000000e+00 : f32
      %max3A_71 = vector.broadcast %max3A : f32 to vector<64x96xf32>
      %max3A_72 = arith.maximumf %sub3A_70, %max3A_71 : vector<64x96xf32>
      %reduce_sum3A = arith.constant dense<0.000000e+00> : vector<64xf32>
      %reduce_sum3A_73 = vector.multi_reduction <add>, %max3A_72, %reduce_sum3A [1] : vector<64x96xf32> to vector<64xf32>
      %broadcast_in_dim3A_74 = vector.shape_cast %reduce_sum3A_73 : vector<64xf32> to vector<64x1xf32>
      %mul3A_75 = arith.constant 0.010416667 : f32
      %mul3A_76 = vector.broadcast %mul3A_75 : f32 to vector<64x1xf32>
      %mul3A_77 = arith.mulf %broadcast_in_dim3A_74, %mul3A_76 : vector<64x1xf32>
      %sub3A_78 = arith.constant 1.000000e+00 : f32
      %sub3A_79 = vector.broadcast %sub3A_78 : f32 to vector<64x1xf32>
      %sub3A_80 = arith.subf %sub3A_79, %mul3A_77 : vector<64x1xf32>
      %convert_element_type3A_81 = arith.sitofp %get3A_0 : i32 to f32
      %sub3A_82 = arith.constant 5.120000e+02 : f32
      %sub3A_83 = arith.subf %sub3A_82, %convert_element_type3A_81 : f32
      %mul3A_84 = vector.broadcast %sub3A_83 : f32 to vector<64x1xf32>
      %mul3A_85 = arith.mulf %mul3A_84, %sub3A_80 : vector<64x1xf32>
      %add3A_86 = arith.addf %cond3A_67#1, %mul3A_85 : vector<64x1xf32>
      %add3A_87 = arith.constant 9.99999971E-10 : f32
      %add3A_88 = vector.broadcast %add3A_87 : f32 to vector<64x1xf32>
      %add3A_89 = arith.addf %add3A_86, %add3A_88 : vector<64x1xf32>
      %div3A_90 = vector.broadcast %add3A_89 : vector<64x1xf32> to vector<64x96xf32>
      %div3A_91 = arith.divf %cond3A_67#0, %div3A_90 : vector<64x96xf32>
      %swap3A_92 = arith.constant 0 : index
      %swap3A_93 = arith.index_cast %mul3A_36 : i32 to index
      %swap3A_94 = arith.constant 0 : index
      %swap3A_95 = vector.load %arg5[%swap3A_92, %swap3A_93, %swap3A_94] : memref<1x512x96xf32, #tpu.memory_space<vmem>>, vector<1x64x96xf32>
      %swap3A_96 = vector.shape_cast %swap3A_95 : vector<1x64x96xf32> to vector<64x96xf32>
      %swap3A_97 = vector.shape_cast %div3A_91 : vector<64x96xf32> to vector<1x64x96xf32>
      tpu.vector_store %arg5[%swap3A_92, %swap3A_93, %swap3A_94], %swap3A_97 {strides = array<i32>} : memref<1x512x96xf32, #tpu.memory_space<vmem>>, vector<1x64x96xf32>,
    }
    return
  }
  func.func @transform_0(%arg0: i32, %arg1: memref<8xi32, #tpu.memory_space<smem>>) -> (i32, i32, i32) {
    %c0_i32 = arith.constant 0 : i32
    %c0_i32_0 = arith.constant 0 : i32
    %c0_i32_1 = arith.constant 0 : i32
    return %arg0, %c0_i32, %c0_i32_0 : i32, i32, i32
  }
  func.func @transform_1(%arg0: i32, %arg1: memref<8xi32, #tpu.memory_space<smem>>) -> (i32, i32, i32) {
    %c0_i32 = arith.constant 0 : i32
    %c0_i32_0 = arith.constant 0 : i32
    %c0_i32_1 = arith.constant 0 : i32
    return %arg0, %c0_i32, %c0_i32_0 : i32, i32, i32
  }
  func.func @transform_2(%arg0: i32, %arg1: memref<8xi32, #tpu.memory_space<smem>>) -> (i32, i32, i32) {
    %c0_i32 = arith.constant 0 : i32
    %c0_i32_0 = arith.constant 0 : i32
    %c0_i32_1 = arith.constant 0 : i32
    return %arg0, %c0_i32, %c0_i32_0 : i32, i32, i32
  }
  func.func @transform_3(%arg0: i32, %arg1: memref<8xi32, #tpu.memory_space<smem>>) -> (i32, i32, i32) {
    %c0_i32 = arith.constant 0 : i32
    %c0_i32_0 = arith.constant 0 : i32
    %c0_i32_1 = arith.constant 0 : i32
    return %arg0, %c0_i32, %c0_i32_0 : i32, i32, i32
  }
}

</mosaic_0001>

<sc_bundles>
// kernel: _run.6.cloned.1.call-start
scs
__scs_entry_jumppad:
0x0: {  	(pc) =	sbr.rel $0x88, $3  }
0x1: {  	(tag) =	ssettag $0x0;
	lr =	simm.s32 $0x1  }
0x2: {  	[smem:$0x3F9A] =	sst lr;
	_ =	strace $0xD0000000  }
0x3: {  	_ = 	snop  }
0x4: {  	_ = 	snop  }
0x5: {  	_ = 	snop  }
0x6: {  	_ = 	snop  }
0x7: {  	_ = 	snop  }
__scs_overlays_trampoline_lowered:
0x8: {  	[smem:$0x3FA9] =	sst s0  }
0x9: {  	[smem:$0x3FAA] =	sst s1  }
0xa: {  	[smem:$0x3FAB] =	sst s2  }
0xb: {  	[smem:$0x3FAC] =	sst s3  }
0xc: {  	[smem:$0x3FAD] =	sst s4  }
0xd: {  	[smem:$0x3FAE] =	sst s5  }
0xe: {  	[smem:$0x3FAF] =	sst s6  }
0xf: {  	[smem:$0x3FB0] =	sst s7  }
0x10: {  	[smem:$0x3FB1] =	sst s8  }
0x11: {  	[smem:$0x3FB2] =	sst s9;
	s0 =	simm.s32 @!p0 $0x0  }
0x12: {  	s1 =	sld [smem:$0x3F98];
	s0 =	simm.s32 @p0 $0x1  }
0x13: {  	[smem:$0x3FB3] =	sst s0;
	s0 =	simm.s32 @!p1 $0x0  }
0x14: {  	s2 =	sld [smem:$0x3F97];
	s0 =	simm.s32 @p1 $0x1  }
0x15: {  	[smem:$0x3FB4] =	sst s0;
	s0 =	simm.s32 @!p2 $0x0  }
0x16: {  	s3 =	sld [smem:$0x3FDB];
	s0 =	simm.s32 @p2 $0x1  }
0x17: {  	s4 =	simm.s32 $0x1BF5;
	[smem:$0x3FB6] =	sst s0  }
0x18: {  	s0 =	sld [smem:$0x3F99];
	_ =	swait.ge [sflag:s4], $0x0  }
0x19: {  	s7 =	sld [smem:$0x3F9A]  }
0x1a: {  	s8 =	sadd.s32 $0xFFFFE003, lr  }
0x1b: {  	s9 =	sadd.s32 $0xFFFFFEF7, lr;
	s5 =	simm.s32 $0xFFFFFFFF;
	p2 =	slt.u32 s8, $0xFFFFF086  }
0x1c: {  	p1 =	slt.u32 s9, $0xF7A;
	s5 =	simm.s32 @!p2 $0x0  }
0x1d: {  	s5 =	simm.s32 @p1 $0x1;
	p0 =	seq.s32 s7, s2  }
0x1e: {  	s7 =	smul.u32 @!p0 $0xF7A, s2;
	p2 =	seq.s32 @!p0 s5, $0x0  }
0x1f: {  	s9 =	smul.u32 $0xF7A, s1;
	s8 =	simm.s32 @!p0 $0x1BF5;
	p2 =	por !p2, p0  }
0x20: {  	[sflag:s8] =	ssyncset.s32 @!p0 $0xFFFFF086;
	s6 =	sadd.s32 @!p0 s3, s7;
	s7 =	simm.s32 @!p0 $0x108  }
0x21: {  	s3 =	sadd.s32 s3, s9;
	s6 =	sadd.s32 @!p0 $0x88, s6;
	s7 =	simm.s32 @p2 $0x1082  }
0x22: {  	[simem:s7], [sflag:s8] =	dma.local @!p0 [hbm:s6], $0xF7A  }
0x23: {  	s9 =	sor.u32 $0xD0000000, s2;
	s6 =	simm.s32 $0x108;
	_ =	swait.ge @!p0 [sflag:s8], $0x0  }
0x24: {  	s3 =	sadd.s32 $0x88, s3;
	s6 =	simm.s32 @!p1 $0x1082;
	[sflag:s4] =	ssyncset.s32 $0xFFFFF086  }
0x25: {  	[simem:s6], [sflag:s4] =	dma.local [hbm:s3], $0xF7A  }
0x26: {  	[smem:$0x3F9A] =	sst s1;
	(tag) =	ssettag s2;
	_ =	strace s9  }
0x27: {  	s1 =	sld [smem:$0x3FAA]  }
0x28: {  	s2 =	sld [smem:$0x3FAB]  }
0x29: {  	s4 =	sld [smem:$0x3FAD]  }
0x2a: {  	p0 =	seq.s32 s5, $0x0;
	s5 =	sld [smem:$0x3FAE]  }
0x2b: {  	s6 =	sld [smem:$0x3FAF]  }
0x2c: {  	s7 =	sld [smem:$0x3FB0]  }
0x2d: {  	s3 =	simm.s32 $0x108;
	s8 =	sld [smem:$0x3FB1]  }
0x2e: {  	s3 =	simm.s32 @!p0 $0x1082;
	s9 =	sld [smem:$0x3FB2]  }
0x2f: {  	lr =	sadd.s32 s0, s3;
	s0 =	sld [smem:$0x3FA9]  }
0x30: {  	s3 =	sld [smem:$0x3FAC]  }
0x31: {  	[smem:$0x3FB5] =	sst s10  }
0x32: {  	s10 =	sld [smem:$0x3FB3];
	_ =	sdelay $0x3  }
0x33: {  	p0 =	seq.s32 s10, $0x1;
	s10 =	sld [smem:$0x3FB5];
	_ =	sdelay $0x3  }
0x34: {  	[smem:$0x3FB5] =	sst s10  }
0x35: {  	s10 =	sld [smem:$0x3FB4];
	_ =	sdelay $0x3  }
0x36: {  	p1 =	seq.s32 s10, $0x1;
	s10 =	sld [smem:$0x3FB5];
	_ =	sdelay $0x3  }
0x37: {  	[smem:$0x3FB5] =	sst s10  }
0x38: {  	s10 =	sld [smem:$0x3FB6]  }
0x39: {  	_ = 	snop;
	(pc) =	sbr.ind lr, $3  }
0x3a: {  	_ = 	snop  }
0x3b: {  	_ = 	snop  }
0x3c: {  	p2 =	seq.s32 s10, $0x1;
	s10 =	sld [smem:$0x3FB5]  }
0x3d: {  	_ =	shalt  }
0x3e: {  	_ =	shalt  }
0x3f: {  	_ =	shalt  }
0x40: {  	_ =	shalt  }
0x41: {  	_ =	shalt  }
0x42: {  	_ =	shalt  }
0x43: {  	_ =	shalt  }
0x44: {  	_ =	shalt  }
0x45: {  	_ =	shalt  }
0x46: {  	_ =	shalt  }
0x47: {  	_ =	shalt  }
0x48: {  	_ =	shalt  }
0x49: {  	_ =	shalt  }
0x4a: {  	_ =	shalt  }
0x4b: {  	_ =	shalt  }
0x4c: {  	_ =	shalt  }
0x4d: {  	_ =	shalt  }
0x4e: {  	_ =	shalt  }
0x4f: {  	_ =	shalt  }
0x50: {  	_ =	shalt  }
0x51: {  	_ =	shalt  }
0x52: {  	_ =	shalt  }
0x53: {  	_ =	shalt  }
0x54: {  	_ =	shalt  }
0x55: {  	_ =	shalt  }
0x56: {  	_ =	shalt  }
0x57: {  	_ =	shalt  }
0x58: {  	_ =	shalt  }
0x59: {  	_ =	shalt  }
0x5a: {  	_ =	shalt  }
0x5b: {  	_ =	shalt  }
0x5c: {  	_ =	shalt  }
0x5d: {  	_ =	shalt  }
0x5e: {  	_ =	shalt  }
0x5f: {  	_ =	shalt  }
0x60: {  	_ =	shalt  }
0x61: {  	_ =	shalt  }
0x62: {  	_ =	shalt  }
0x63: {  	_ =	shalt  }
0x64: {  	_ =	shalt  }
0x65: {  	_ =	shalt  }
0x66: {  	_ =	shalt  }
0x67: {  	_ =	shalt  }
0x68: {  	_ =	shalt  }
0x69: {  	_ =	shalt  }
0x6a: {  	_ =	shalt  }
0x6b: {  	_ =	shalt  }
0x6c: {  	_ =	shalt  }
0x6d: {  	_ =	shalt  }
0x6e: {  	_ =	shalt  }
0x6f: {  	_ =	shalt  }
0x70: {  	_ =	shalt  }
0x71: {  	_ =	shalt  }
0x72: {  	_ =	shalt  }
0x73: {  	_ =	shalt  }
0x74: {  	_ =	shalt  }
0x75: {  	_ =	shalt  }
0x76: {  	_ =	shalt  }
0x77: {  	_ =	shalt  }
0x78: {  	_ =	shalt  }
0x79: {  	_ =	shalt  }
0x7a: {  	_ =	shalt  }
0x7b: {  	_ =	shalt  }
0x7c: {  	_ =	shalt  }
0x7d: {  	_ =	shalt  }
0x7e: {  	_ =	shalt  }
0x7f: {  	_ =	shalt  }
0x80: {  	_ =	shalt  }
0x81: {  	_ =	shalt  }
0x82: {  	_ =	shalt  }
0x83: {  	_ =	shalt  }
0x84: {  	_ =	shalt  }
0x85: {  	_ =	shalt  }
0x86: {  	_ =	shalt  }
0x87: {  	_ =	shalt  }
.Lfunc_end0:
.L_simem_size_0:
called_computation_lowered:
.L_overlay_start_0:
0x88: {  	s2 =	sld [smem:$0x3FD9]  }
0x89: {  	s3 =	sld [smem:$0x3FFE];
	_ =	sdelay $0x1  }
0x8a: {  	s1 =	srdreg.scid  }
0x8b: {  	s0 =	sand.u32 $0x1, s1  }
0x8c: {  	s14 =	sshll.u32 s0, $0xA;
	s2 =	sadd.s32 s3, s2  }
0x8d: {  	s2 =	sadd.s32 s2, s14  }
0x8e: {  	[smem:$0x3FC1] =	sst s2  }
0x8f: {  	_ = 	snop  }
0x90: {  	s2 =	sld [smem:$0x3FD0];
	_ =	sdelay $0x2  }
0x91: {  	s15 =	simm.s32 $0xA;
	s4 =	simm.s32 $0x10  }
0x92: {  	[smem:s4], [sflag:s15] =	dma.local [hbm:s2], $0x1  }
0x93: {  	_ =	swait.eq [sflag:s15], $0x1  }
0x94: {  	[sflag:s15] =	ssyncset.done $0x0  }
0x95: {  	[sflag:s15] =	ssyncadd.s32 $0xFFFFFFFF  }
0x96: {  	s16 =	sld [smem:$0x10];
	(tm) =	ssettm $0x1  }
0x97: {  	s17 =	sld [smem:$0x3FFB];
	_ =	sdelay $0x3  }
0x98: {  	_ =	strace s17  }
0x99: {  	s3 =	sld [smem:$0x3FFC];
	_ =	sdelay $0x3  }
0x9a: {  	_ =	strace s3  }
0x9b: {  	s3 =	sld [smem:$0x3FFD];
	_ =	sdelay $0x3  }
0x9c: {  	_ =	strace s3  }
0x9d: {  	_ =	strace $0x8FFFFFFF  }
0x9e: {  	s18 =	sld [smem:$0x3FDB];
	_ =	sdelay $0x1  }
0x9f: {  	s19 =	simm.s32 $_scs_section_size  }
0xa0: {  	s5 =	simm.s32 $_size__tile_overlayer_lowered;
	s6 =	simm.s32 $_tile_overlayer_lowered  }
0xa1: {  	s22 =	simm.s32 $0x1BFF;
	s21 =	sshll.u32 s6, $0x1;
	s3 =	sadd.s32 s19, s18  }
0xa2: {  	s7 =	simm.s32 $0x0;
	s20 =	sshll.u32 s5, $0x1;
	s5 =	sadd.s32 s21, s3  }
0xa3: {  	[timem:s7], [sflag:s22] =	dma.local [hbm:s5], s20  }
0xa4: {  	_ =	swait.ge [sflag:s22], s20  }
0xa5: {  	s4 =	ssub.s32 $0x0, s20;
	[sflag:s22] =	ssyncset.done $0x0  }
0xa6: {  	[sflag:s22] =	ssyncadd.s32 s4;
	_ =	sdelay $0x1  }
0xa7: {  	s23 =	simm.s32 $0x1B8B  }
0xa8: {  	_ =	swait.ge [sflag:s23], $0x1  }
0xa9: {  	[sflag:s23] =	ssyncset.done $0x0  }
0xaa: {  	s25 =	simm.s32 $0x1B8E;
	s24 =	sld [smem:$0x3FFE];
	[sflag:s23] =	ssyncadd.s32 $0xFFFFFFFF  }
0xab: {  	s26 =	simm.s32 $execute0_lowered;
	[smem:$0x3FD2] =	sst s25  }
0xac: {  	s5 =	sshll.u32 s26, $0x1;
	_ =	strace $0x80000046;
	[dreg:$0x1] =	wrdreg $0xFFFFFFFF  }
0xad: {  	s28 =	simm.s32 $_size_execute0_lowered;
	s3 =	sadd.s32 s3, s5;
	[dreg:$0x0] =	wrdreg $0x0  }
0xae: {  	s5 =	sshll.u32 s28, $0x1;
	[dreg:$0x2] =	wrdreg s3  }
0xaf: {  	[dreg:$0x3] =	wrdreg s5  }
0xb0: {  	[dreg:$0x4] =	wrdreg $0xC0  }
0xb1: {  	_ =	task [dreg:s7], $0x5FFFF  }
0xb2: {  	[dreg:$0x1] =	wrdreg $0xFFFFFFFF  }
0xb3: {  	[dreg:$0x0] =	wrdreg $0x60  }
0xb4: {  	[dreg:$0x2] =	wrdreg s24  }
0xb5: {  	[dreg:$0x3] =	wrdreg s16  }
0xb6: {  	[dreg:$0x4] =	wrdreg $0x9  }
0xb7: {  	_ =	task.clear_ibuf [dreg:s7], $0x5FFFF;
	_ =	strace $0x90000046  }
0xb8: {  	s29 =	simm.s32 $0x9;
	_ =	strace $0x80000048  }
0xb9: {  	_ =	swait.ge [sflag:s29], $0x1  }
0xba: {  	[sflag:s29] =	ssyncadd.s32 $0xFFFFFFFF  }
0xbb: {  	_ =	strace $0x90000048  }
0xbc: {  	_ =	sfence  }
0xbd: {  	s30 =	sld [smem:$0x0];
	_ =	sdelay $0x2  }
0xbe: {  	s31 =	sshll.u32 s1, $0xD;
	s1 =	sshrl.u32 s1, $0x2  }
0xbf: {  	s3 =	sand.u32 $0x4000, s31;
	s1 =	sadd.s32 s1, s30  }
0xc0: {  	s0 =	sor.u32 s3, s0;
	s1 =	sshll.u32 s1, $0x11  }
0xc1: {  	s0 =	sor.u32 s1, s0  }
0xc2: {  	s0 =	sadd.s32 $0x8F2B, s0  }
0xc3: {  	[sflag:s0] =	ssyncadd.remote.s32 $0x1  }
0xc4: {  	_ =	sfence.sel $0xFFFF  }
0xc5: {  	[dreg:$0x0] =	wrdreg $0xFFFFFFFF;
	(pc) =	sbr.abs _section_cstart, $3  }
0xc6: {  	[dreg:$0x1] =	wrdreg $0xFFFFFFFF  }
0xc7: {  	_ =	task.clear_ibuf [dreg:s7], $0x2FFFF;
	_ =	strace $0x9FFFFFFF  }
0xc8: {  	(tm) =	ssettm $0x7FFFFFFF  }
0xc9: {  	_ =	shalt  }
tec
execute0_lowered:
.L_overlay_start_1:
0x0: {  	(tag) =	ssettag $0x1  }
0x1: {  	s1 =	srdreg.scid  }
0x2: {  	s11 =	rddreg [dreg:$0x0];
	s0 =	stileid.u32;
	s12 =	sand.u32 $0x1, s1  }
0x3: {  	s3 =	rddreg [dreg:$0x1];
	s4 =	sshll.u32 s0, $0x8;
	s5 =	sshll.u32 s12, $0x7  }
0x4: {  	s2 =	simm.s32 $0x0;
	s1 =	rddreg [dreg:$0x2];
	s13 =	sor.u32 s5, s4  }
0x5: {  	[smem:$0x7FF] =	sst s2;
	s4 =	sshrl.u32 s13, $0x3  }
0x6: {  	_ =	strace $0x80000047;
	s4 =	sadd.s32 s3, s4;
	s3 =	simm.s32 $0x3  }
0x7: {  	[tilespmem:s2], [sflag:$0x3] =	stream.linear.gather [hbm4b:s4+s2], $0x80, $0x38;
	[tilespmem:$0x8080] =	vst v63  }
0x8: {  	_ =	swait.ge [sflag:s3], $0x80  }
0x9: {  	[sflag:s3] =	ssyncset.done $0x0  }
0xa: {  	s6 =	simm.s32 $0x80;
	s5 =	sadd.s32 $0x1C00, s11;
	[sflag:s3] =	ssyncadd.s32 $0xFFFFFF80  }
0xb: {  	[tilespmem:s6], [sflag:$0x1] =	stream.indirect.gather [hbm4b:s5+s6], $0x80, s2, s6, $0xb8;
	[tilespmem:$0x8080] =	vst v63  }
0xc: {  	s8 =	simm.s32 $0x4080;
	s9 =	simm.s32 $0x1;
	s7 =	sadd.s32 $0x11C00, s11  }
0xd: {  	[tilespmem:s8], [sflag:$0x2] =	stream.indirect.gather [hbm4b:s7+s6], $0x80, s2, s6, $0xb8;
	[tilespmem:$0x8080] =	vst v63  }
0xe: {  	_ =	swait.ge [sflag:s9], $0x4000  }
0xf: {  	[sflag:s9] =	ssyncset.done $0x0  }
0x10: {  	s10 =	simm.s32 $0x2;
	s12 =	ssub.s32 $0x2, s12;
	[sflag:s9] =	ssyncadd.s32 $0xFFFFC000  }
0x11: {  	s14 =	sshrl.u32 s12, $0x1;
	s13 =	sshll.u32 s13, $0x4;
	_ =	swait.ge [sflag:s10], $0x4000  }
0x12: {  	s14 =	ssub.s32 s12, s14;
	s13 =	sadd.s32 s13, s11;
	[sflag:s10] =	ssyncset.done $0x0  }
0x13: {  	s31 =	smax.u32 s14, $0x1;
	s11 =	sadd.s32 $0x21C00, s13;
	[sflag:s10] =	ssyncadd.s32 $0xFFFFC000  }
0x14: {  	[hbm4b:s11+s2] =	stream.linear.scatter [tilespmem:s6], [sflag:$0x3], $0x4000, $0x38;
	[tilespmem:$0x8080] =	vst v63  }
0x15: {  	p0 =	sne.s32 s31, $0x1;
	_ =	swait.ge [sflag:s3], $0x4000  }
.Ltmp0:
0x16: {  	[sflag:s3] =	ssyncset.done $0x0;
	(pc) =	sbr.rel @!p0 .LBB2_2-.Ltmp0, $4  }
0x17: {  	s12 =	sadd.s32 $0x31C00, s13;
	[sflag:s3] =	ssyncadd.s32 $0xFFFFC000  }
0x18: {  	[hbm4b:s12+s2] =	stream.linear.scatter [tilespmem:s8], [sflag:$0x3], $0x4000, $0x38;
	[tilespmem:$0x8080] =	vst v63  }
0x19: {  	_ =	swait.ge [sflag:s3], $0x4000  }
0x1a: {  	s13 =	sadd.s32 $0xFFFFFFFF, s31;
	[sflag:s3] =	ssyncset.done $0x0  }
.LBB2_1:
0x1b: {  	p0 =	sne.s32 s13, $0x1;
	s13 =	sadd.s32 $0xFFFFFFFF, s13;
	[sflag:s3] =	ssyncadd.s32 $0xFFFFC000  }
0x1c: {  	[tilespmem:s2], [sflag:$0x3] =	stream.linear.gather [hbm4b:s4+s2], $0x80, $0x38;
	[tilespmem:$0x8080] =	vst v63  }
0x1d: {  	_ =	swait.ge [sflag:s3], $0x80  }
0x1e: {  	[sflag:s3] =	ssyncset.done $0x0  }
0x1f: {  	[sflag:s3] =	ssyncadd.s32 $0xFFFFFF80  }
0x20: {  	[tilespmem:s6], [sflag:$0x1] =	stream.indirect.gather [hbm4b:s5+s6], $0x80, s2, s6, $0xb8;
	[tilespmem:$0x8080] =	vst v63  }
0x21: {  	_ = 	snop  }
0x22: {  	[tilespmem:s8], [sflag:$0x2] =	stream.indirect.gather [hbm4b:s7+s6], $0x80, s2, s6, $0xb8;
	[tilespmem:$0x8080] =	vst v63  }
0x23: {  	_ =	swait.ge [sflag:s9], $0x4000  }
0x24: {  	[sflag:s9] =	ssyncset.done $0x0  }
0x25: {  	[sflag:s9] =	ssyncadd.s32 $0xFFFFC000  }
0x26: {  	_ =	swait.ge [sflag:s10], $0x4000  }
0x27: {  	[sflag:s10] =	ssyncset.done $0x0  }
0x28: {  	[sflag:s10] =	ssyncadd.s32 $0xFFFFC000  }
0x29: {  	[hbm4b:s11+s2] =	stream.linear.scatter [tilespmem:s6], [sflag:$0x3], $0x4000, $0x38;
	[tilespmem:$0x8080] =	vst v63  }
0x2a: {  	_ =	swait.ge [sflag:s3], $0x4000  }
.Ltmp1:
0x2b: {  	[sflag:s3] =	ssyncset.done $0x0;
	(pc) =	sbr.rel @p0 .LBB2_1-.Ltmp1, $4  }
0x2c: {  	[sflag:s3] =	ssyncadd.s32 $0xFFFFC000  }
0x2d: {  	[hbm4b:s12+s2] =	stream.linear.scatter [tilespmem:s8], [sflag:$0x3], $0x4000, $0x38;
	[tilespmem:$0x8080] =	vst v63  }
0x2e: {  	_ =	swait.ge [sflag:s3], $0x4000  }
0x2f: {  	[sflag:s3] =	ssyncset.done $0x0  }
.LBB2_2:
0x30: {  	[sflag:s3] =	ssyncadd.s32 $0xFFFFC000  }
0x31: {  	_ =	sfence.sel $0x180000  }
0x32: {  	[bflag:$0x0] =	sbarrier.arrive $0xFFFF  }
0x33: {  	p0 =	sne.s32 s0, $0x0;
	_ =	strace $0x90000047  }
0x34: {  	s0 =	sadd.s32 @!p0 $0x100000, s1;
	[bflag:$0x2] =	sbarrier.arrive $0xFFFF  }
0x35: {  	[sflag:s0] =	ssyncadd.tile.s32 @!p0 $0x1;
	_ =	shalt  }
.Lfunc_end2:
_tile_overlayer_lowered:
.L_overlay_start_2:
0x36: {  	(tag) =	ssettag $0x2  }
0x37: {  	s0 =	rddreg [dreg:$0x0];
	s2 =	stileid.u32  }
0x38: {  	s1 =	rddreg [dreg:$0x1];
	p0 =	sne.s32 s2, $0x0  }
0x39: {  	s3 =	rddreg [dreg:$0x2];
	[bflag:$0x3] =	sbarrier.arrive $0xFFFF;
	s2 =	simm.s32 @!p0 $0x1C03  }
0x3a: {  	[timem:s3], [sflag:s2] =	dma.local @!p0 [hbm:s0], s1  }
0x3b: {  	s0 =	simm.s32 @!p0 $0x3  }
0x3c: {  	_ =	swait.ge @!p0 [sflag:s0], s1  }
0x3d: {  	s1 =	ssub.s32 @!p0 $0x0, s1;
	[sflag:s0] =	ssyncset.done @!p0 $0x0  }
0x3e: {  	[sflag:s0] =	ssyncadd.s32 @!p0 s1  }
0x3f: {  	[bflag:$0x3] =	sbarrier.arrive $0xFFFF  }
0x40: {  	_ =	shalt  }

</sc_bundles>
